<compile_context>
chip_gen: v7x
topology: tpu7x:2x2x1
jax: 0.10.2.dev20260603
libtpu: 0.0.44.dev20260713+nightly
codegen_flags: <defaults>
</compile_context>

<pallas_src>
import functools

import jax
import jax.numpy as jnp
from jax import lax
from jax.experimental import pallas as pl
from jax.experimental.pallas import tpu as pltpu
from jax.experimental.pallas import tpu_sc as plsc

B = 2
C = 8
T = 8
N = 512
M = 3 * N
K = 16
QK = 32
VD = 32
NL = 2

SC_CORES = 2
SC_SUBCORES = 16
SC_WORKERS = SC_CORES * SC_SUBCORES
TOTAL_ROWS = B * T * K * N
ROWS_PER_W = TOTAL_ROWS // SC_WORKERS
IDX_CHUNK = 128
CHUNKS_PER_W = ROWS_PER_W // IDX_CHUNK



def _topk_body(inp_ref, prevT_ref, curT_ref, nextT_ref, gidx_ref):
    b = pl.program_id(0)
    t = pl.program_id(1)
    selfc = inp_ref[0, 0]
    poolT = jnp.concatenate(
        [prevT_ref[0, 0], curT_ref[0, 0], nextT_ref[0, 0]], axis=0
    )

    d2 = jnp.zeros((M, N), jnp.float32)
    for c in range(3):
        diff = selfc[c:c + 1, :] - poolT[:, c:c + 1]
        d2 = d2 + diff * diff

    iota = lax.broadcasted_iota(jnp.int32, (M, N), 0)
    iota_n = lax.broadcasted_iota(jnp.int32, (1, N), 1)
    idx0 = jnp.where(t == 0, iota_n, iota_n + N)
    d2 = jnp.where(iota == idx0, jnp.inf, d2)
    rows = [idx0]
    for _ in range(K - 1):
        idx_j = jnp.argmin(d2, axis=0, keepdims=True).astype(jnp.int32)
        rows.append(idx_j)
        d2 = jnp.where(iota == idx_j, jnp.inf, d2)
    idx = jnp.concatenate(rows, axis=0)

    s = idx >> 9
    nn = idx & (N - 1)
    tt = jnp.clip(t - 1 + s, 0, T - 1)
    grow = ((b * T + tt) << 9) | nn
    gidx_ref[0] = grow


def _run_topk(inpR, inpT, interpret=False):
    return pl.pallas_call(
        _topk_body,
        grid=(B, T),
        in_specs=[
            pl.BlockSpec((1, 1, C, N), lambda b, t: (b, t, 0, 0)),
            pl.BlockSpec((1, 1, N, C),
                         lambda b, t: (b, jnp.maximum(t - 1, 0), 0, 0)),
            pl.BlockSpec((1, 1, N, C), lambda b, t: (b, t, 0, 0)),
            pl.BlockSpec((1, 1, N, C),
                         lambda b, t: (b, jnp.minimum(t + 1, T - 1), 0, 0)),
        ],
        out_specs=pl.BlockSpec((1, K, N), lambda b, t: (b * T + t, 0, 0)),
        out_shape=jax.ShapeDtypeStruct((B * T, K, N), jnp.int32),
        interpret=interpret,
    )(inpR, inpT, inpT, inpT)



def _sc_gather_body(table_hbm, idx_hbm, out_hbm, win_v, idx_v, rows_v):
    wid = lax.axis_index("s") * SC_CORES + lax.axis_index("c")
    bt = wid // 2
    b = bt // T
    t = bt % T
    wbt = jnp.clip(t - 1, 0, T - 3)
    wb = (b * T + wbt) * N
    pltpu.sync_copy(table_hbm.at[pl.ds(wb * C, M * C)], win_v)
    pltpu.sync_copy(idx_hbm.at[pl.ds(wid * ROWS_PER_W, ROWS_PER_W)], idx_v)

    @plsc.parallel_loop(0, ROWS_PER_W // 16, unroll=8)
    def _gather_step(i):
        locb = (idx_v[pl.ds(i * 16, 16)] - wb) * C
        for c in range(C):
            rows_v[c, pl.ds(i * 16, 16)] = plsc.load_gather(win_v, [locb + c])
    pltpu.sync_copy(rows_v, out_hbm.at[pl.ds(wid * C, C)])


def _run_sc_gather(table, gidx_flat):
    mesh = plsc.VectorSubcoreMesh(core_axis_name="c", subcore_axis_name="s")
    f = functools.partial(
        pl.kernel,
        out_type=jax.ShapeDtypeStruct((SC_WORKERS * C, ROWS_PER_W), jnp.float32),
        mesh=mesh,
        scratch_types=[
            pltpu.VMEM((M * C,), jnp.float32),
            pltpu.VMEM((ROWS_PER_W,), jnp.int32),
            pltpu.VMEM((C, ROWS_PER_W), jnp.float32),
        ],
        compiler_params=pltpu.CompilerParams(needs_layout_passes=False),
    )(_sc_gather_body)
    return f(table, gidx_flat)



def _attn_body(inpR_ref, gsel_ref, WqkK_ref, bqkK_ref, WvK_ref, bvK_ref,
               out0_ref, out1_ref):
    selfc = inpR_ref[0, 0]
    g = gsel_ref[0]
    selfrep = jnp.concatenate(
        [jnp.broadcast_to(selfc[c:c + 1, :], (K, N)) for c in range(C)],
        axis=0)
    x_r = jnp.concatenate(
        [selfrep[:4 * K] - g[:4 * K], selfrep[4 * K:], g[4 * K:]],
        axis=0)

    for l, out_ref in ((0, out0_ref), (1, out1_ref)):
        comb = (jnp.dot(WqkK_ref[l], x_r, preferred_element_type=jnp.float32)
                + bqkK_ref[:, l:l + 1])
        vv = (jnp.dot(WvK_ref[l], x_r, preferred_element_type=jnp.float32)
              + bvK_ref[:, l:l + 1])

        e = (comb[0:K][:, None, :] * comb[QK * K:QK * K + K][None, :, :])
        for c in range(1, QK):
            e = e + (comb[c * K:(c + 1) * K][:, None, :]
                     * comb[(QK + c) * K:(QK + c + 1) * K][None, :, :])
        mx = jnp.max(e, axis=1, keepdims=True)
        p = jnp.exp(e - mx)
        den = jnp.sum(p, axis=1)
        w = p[:, 0, :] / den

        wt = jnp.concatenate([w] * VD, axis=0)
        wv = (vv * wt).reshape(VD, K, N)
        out = jnp.sum(wv, axis=1)
        out_ref[0, 0] = jnp.concatenate([selfc[0:4], out], axis=0)


def _run_attn(inpR, gsel3, WqkK, bqkK, WvK, bvK, interpret=False):
    return pl.pallas_call(
        _attn_body,
        grid=(B, T),
        in_specs=[
            pl.BlockSpec((1, 1, C, N), lambda b, t: (b, t, 0, 0)),
            pl.BlockSpec((1, C * K, N), lambda b, t: (b * T + t, 0, 0)),
            pl.BlockSpec((NL, 2 * QK * K, 12 * K), lambda b, t: (0, 0, 0)),
            pl.BlockSpec((2 * QK * K, NL), lambda b, t: (0, 0)),
            pl.BlockSpec((NL, VD * K, 12 * K), lambda b, t: (0, 0, 0)),
            pl.BlockSpec((VD * K, NL), lambda b, t: (0, 0)),
        ],
        out_specs=[
            pl.BlockSpec((1, 1, 4 + VD, N), lambda b, t: (b, t, 0, 0)),
            pl.BlockSpec((1, 1, 4 + VD, N), lambda b, t: (b, t, 0, 0)),
        ],
        out_shape=[
            jax.ShapeDtypeStruct((B, T, 4 + VD, N), jnp.float32),
            jax.ShapeDtypeStruct((B, T, 4 + VD, N), jnp.float32),
        ],
        interpret=interpret,
    )(inpR, gsel3, WqkK, bqkK, WvK, bvK)


def _expand_weights(Wqk, bqk, Wv, bv):
    eye = jnp.eye(K, dtype=jnp.float32)
    alpha = QK ** -0.25
    WqkK = (jnp.einsum('loc,kj->lokcj', Wqk, eye)
            .reshape(NL, 2 * QK * K, 12 * K) * alpha)
    WvK = jnp.einsum('loc,kj->lokcj', Wv, eye).reshape(NL, VD * K, 12 * K)
    bqkK = jnp.repeat(bqk, K, axis=1).T * alpha
    bvK = jnp.repeat(bv, K, axis=1).T
    return WqkK, bqkK, WvK, bvK



def kernel(input_tensor, Wqk, bqk, Wv, bv):
    inpT = jnp.transpose(input_tensor, (0, 2, 3, 1))
    inpR = jnp.transpose(input_tensor, (0, 2, 1, 3))

    gidx = _run_topk(inpR, inpT)
    rows = _run_sc_gather(inpT.reshape(B * T * N * C),
                          gidx.reshape(TOTAL_ROWS))

    gsel3 = jnp.transpose(rows.reshape(B * T, 2, C, K // 2, N),
                          (0, 2, 1, 3, 4)).reshape(B * T, C * K, N)

    WqkK, bqkK, WvK, bvK = _expand_weights(Wqk, bqk, Wv, bv)
    o0, o1 = _run_attn(inpR, gsel3, WqkK, bqkK, WvK, bvK)
    return (jnp.transpose(o0, (0, 2, 1, 3)), jnp.transpose(o1, (0, 2, 1, 3)))

# --- scband reference (transcript-rebuilt; emitter-appended) ---
"""Pipeline reference for scband-self-a-63333587747382 (READ-ONLY COPY).

The authoritative reference and input builder live on the scoring server;
editing this copy changes nothing except your own understanding.
"""

import jax, jax.numpy as jnp
import numpy as np

NUM_LAYERS = 2
QK_DIM = 32
V_DIM = 32
TOPK = 16
INTERVAL = 3


def st_group_points(array, interval, knn):
    B, C, T, N = array.shape
    pad = interval // 2
    first = jnp.repeat(array[:, :, :1], pad, axis=2)
    last = jnp.repeat(array[:, :, -1:], pad, axis=2)
    arr_p = jnp.concatenate([first, array, last], axis=2)
    nbrs = jnp.stack([arr_p[:, :, i:i + interval].reshape(B, C, -1) for i in range(T)], axis=2)
    d1 = array[:, :3][:, :, :, :, None]
    d2 = nbrs[:, :3][:, :, :, None, :]
    dist = jnp.sqrt(((d1 - d2) ** 2).sum(axis=1))
    _, idx = jax.lax.top_k(-jax.lax.stop_gradient(dist), knn)
    M = N * interval
    a2 = jnp.broadcast_to(nbrs[:, :, :, None, :], (B, C, T, N, M))
    idx_e = jnp.broadcast_to(idx[:, None], (B, C, T, N, knn))
    neighbor = jnp.take_along_axis(a2, idx_e, axis=-1)
    arr_e = jnp.broadcast_to(array[..., None], neighbor.shape)
    return jnp.concatenate([arr_e[:, :4] - neighbor[:, :4], arr_e[:, 4:], neighbor[:, 4:]], axis=1)


def attention_cell(x, Wqk, bqk, Wv, bv):
    comb = jnp.einsum('oi,binm->bonm', Wqk, x) + bqk[None, :, None, None]
    q = comb[:, :QK_DIM]
    k = comb[:, QK_DIM:]
    energy = jnp.einsum('bcnq,bcnk->bnqk', q, k)
    attn = jax.nn.softmax(energy / (QK_DIM ** 0.5), axis=3)
    v = jnp.einsum('oi,binm->bonm', Wv, x) + bv[None, :, None, None]
    attn_first = attn[:, :, :, 0]
    out = jnp.einsum('bnk,bcnk->bnkc', attn_first, v)
    return out.sum(axis=2)


def reference(input_tensor, Wqk, bqk, Wv, bv):
    st = st_group_points(input_tensor, INTERVAL, TOPK)
    x = jnp.transpose(input_tensor, (0, 2, 3, 1))
    T = x.shape[1]
    position = x[:, :, :, :4]
    outputs = []
    for l in range(NUM_LAYERS):
        outs_t = []
        for t in range(T):
            one = st[:, :, t]
            outs_t.append(attention_cell(one, Wqk[l], bqk[l], Wv[l], bv[l]))
        layer = jnp.concatenate([position, jnp.stack(outs_t, axis=1)], axis=3)
        outputs.append(jnp.transpose(layer, (0, 3, 1, 2)))
    return tuple(outputs)


def setup_inputs(seed: int = 0):
    key = jax.random.key(seed)
    ks = jax.random.split(key, 4)
    IN_CH = 12
    input_tensor = jax.random.normal(ks[0], (2, 8, 8, 512), dtype=jnp.float32)
    Wqk = jax.random.normal(ks[1], (NUM_LAYERS, 2 * QK_DIM, IN_CH), dtype=jnp.float32) * 0.1
    bqk = jnp.zeros((NUM_LAYERS, 2 * QK_DIM), dtype=jnp.float32)
    Wv = jax.random.normal(ks[2], (NUM_LAYERS, V_DIM, IN_CH), dtype=jnp.float32) * 0.1
    bv = jnp.zeros((NUM_LAYERS, V_DIM), dtype=jnp.float32)
    return {"input_tensor": input_tensor, "Wqk": Wqk, "bqk": bqk, "Wv": Wv, "bv": bv}

if __name__ == "__main__":
    import jax
    _d = setup_inputs()
    print(jax.jit(kernel)(*tuple(_d.values())))

</pallas_src>

<mosaic_0001>
#map = affine_map<(d0, d1) -> (0)>
#map1 = affine_map<(d0, d1) -> (0, 0)>
module attributes {stable_mosaic.version = 14 : i64} {
  func.func @_sc_gather_body(%arg0: i32, %arg1: i32, %arg2: memref<65536xf32, #tpu.memory_space<hbm>>, %arg3: memref<131072xi32, #tpu.memory_space<hbm>>, %arg4: memref<256x4096xf32, #tpu.memory_space<hbm>>, %arg5: memref<12288xf32, #tpu.memory_space<vmem>>, %arg6: memref<4096xi32, #tpu.memory_space<vmem>>, %arg7: memref<8x4096xf32, #tpu.memory_space<vmem>>) attributes {dimension_semantics = [#tpu.dimension_semantics<core_parallel>, #tpu.dimension_semantics<subcore_parallel>], iteration_bounds = array<i64: 2, 16>, scalar_prefetch = 0 : i64, scratch_operands = 3 : i64, tpu.core_type = #tpu.core_type<sc_vector_subcore>, window_params = [{transform_indices = #map}, {transform_indices = #map}, {transform_indices = #map1}]} {
    %mul3A = arith.constant 2 : i32
    %mul3A_0 = arith.muli %arg1, %mul3A : i32
    %add3A = arith.addi %mul3A_0, %arg0 : i32
    %jit3A = arith.constant 2 : i32
    %div3A = arith.divsi %add3A, %jit3A : i32
    %sign3A = arith.constant 0 : i32
    %sign3A_1 = arith.cmpi sgt, %add3A, %sign3A : i32
    %sign3A_2 = arith.extui %sign3A_1 : i1 to i32
    %sign3A_3 = arith.constant 0 : i32
    %sign3A_4 = arith.cmpi slt, %add3A, %sign3A_3 : i32
    %sign3A_5 = arith.extui %sign3A_4 : i1 to i32
    %sign3A_6 = arith.subi %sign3A_2, %sign3A_5 : i32
    %sign3A_7 = arith.constant 0 : i32
    %sign3A_8 = arith.cmpi sgt, %jit3A, %sign3A_7 : i32
    %sign3A_9 = arith.extui %sign3A_8 : i1 to i32
    %sign3A_10 = arith.constant 0 : i32
    %sign3A_11 = arith.cmpi slt, %jit3A, %sign3A_10 : i32
    %sign3A_12 = arith.extui %sign3A_11 : i1 to i32
    %sign3A_13 = arith.subi %sign3A_9, %sign3A_12 : i32
    %ne3A = arith.cmpi ne, %sign3A_6, %sign3A_13 : i32
    %rem3A = arith.remsi %add3A, %jit3A : i32
    %ne3A_14 = arith.constant 0 : i32
    %ne3A_15 = arith.cmpi ne, %rem3A, %ne3A_14 : i32
    %and3A = arith.andi %ne3A, %ne3A_15 : i1
    %sub3A = arith.constant 1 : i32
    %sub3A_16 = arith.subi %div3A, %sub3A : i32
    %select_n3A = arith.select %and3A, %sub3A_16, %div3A : i32
    %jit3A_17 = arith.constant 8 : i32
    %div3A_18 = arith.divsi %select_n3A, %jit3A_17 : i32
    %sign3A_19 = arith.constant 0 : i32
    %sign3A_20 = arith.cmpi sgt, %select_n3A, %sign3A_19 : i32
    %sign3A_21 = arith.extui %sign3A_20 : i1 to i32
    %sign3A_22 = arith.constant 0 : i32
    %sign3A_23 = arith.cmpi slt, %select_n3A, %sign3A_22 : i32
    %sign3A_24 = arith.extui %sign3A_23 : i1 to i32
    %sign3A_25 = arith.subi %sign3A_21, %sign3A_24 : i32
    %sign3A_26 = arith.constant 0 : i32
    %sign3A_27 = arith.cmpi sgt, %jit3A_17, %sign3A_26 : i32
    %sign3A_28 = arith.extui %sign3A_27 : i1 to i32
    %sign3A_29 = arith.constant 0 : i32
    %sign3A_30 = arith.cmpi slt, %jit3A_17, %sign3A_29 : i32
    %sign3A_31 = arith.extui %sign3A_30 : i1 to i32
    %sign3A_32 = arith.subi %sign3A_28, %sign3A_31 : i32
    %ne3A_33 = arith.cmpi ne, %sign3A_25, %sign3A_32 : i32
    %rem3A_34 = arith.remsi %select_n3A, %jit3A_17 : i32
    %ne3A_35 = arith.constant 0 : i32
    %ne3A_36 = arith.cmpi ne, %rem3A_34, %ne3A_35 : i32
    %and3A_37 = arith.andi %ne3A_33, %ne3A_36 : i1
    %sub3A_38 = arith.constant 1 : i32
    %sub3A_39 = arith.subi %div3A_18, %sub3A_38 : i32
    %select_n3A_40 = arith.select %and3A_37, %sub3A_39, %div3A_18 : i32
    %jit3A_41 = arith.constant 8 : i32
    %eq3A = arith.constant 0 : i32
    %eq3A_42 = arith.cmpi eq, %jit3A_41, %eq3A : i32
    %jit3A_43 = arith.constant 1 : i32
    %select_n3A_44 = arith.select %eq3A_42, %jit3A_43, %jit3A_41 : i32
    %rem3A_45 = arith.remsi %select_n3A, %select_n3A_44 : i32
    %ne3A_46 = arith.constant 0 : i32
    %ne3A_47 = arith.cmpi ne, %rem3A_45, %ne3A_46 : i32
    %lt3A = arith.constant 0 : i32
    %lt3A_48 = arith.cmpi slt, %rem3A_45, %lt3A : i32
    %lt3A_49 = arith.constant 0 : i32
    %lt3A_50 = arith.cmpi slt, %select_n3A_44, %lt3A_49 : i32
    %ne3A_51 = arith.xori %lt3A_48, %lt3A_50 : i1
    %and3A_52 = arith.andi %ne3A_51, %ne3A_47 : i1
    %add3A_53 = arith.addi %rem3A_45, %select_n3A_44 : i32
    %select_n3A_54 = arith.select %and3A_52, %add3A_53, %rem3A_45 : i32
    %sub3A_55 = arith.constant 1 : i32
    %sub3A_56 = arith.subi %select_n3A_54, %sub3A_55 : i32
    %jit3A_57 = arith.constant 0 : i32
    %jit3A_58 = arith.constant 5 : i32
    %max3A = arith.maxsi %jit3A_57, %sub3A_56 : i32
    %min3A = arith.minsi %jit3A_58, %max3A : i32
    %mul3A_59 = arith.constant 8 : i32
    %mul3A_60 = arith.muli %select_n3A_40, %mul3A_59 : i32
    %add3A_61 = arith.addi %mul3A_60, %min3A : i32
    %mul3A_62 = arith.constant 512 : i32
    %mul3A_63 = arith.muli %add3A_61, %mul3A_62 : i32
    %mul3A_64 = arith.constant 8 : i32
    %mul3A_65 = arith.muli %mul3A_63, %mul3A_64 : i32
    "tpu.region"() ({
      %run_scoped3A = tpu.sem_alloc : memref<!tpu.dma_semaphore, #tpu.memory_space<semaphore_mem>>
      %dma_start3A = tpu.memref_slice %arg2[%mul3A_65] : memref<65536xf32, #tpu.memory_space<hbm>> -> memref<12288xf32, #tpu.memory_space<hbm>>
      %dma_start3A_72 = tpu.memref_slice %arg2[%mul3A_65] : memref<65536xf32, #tpu.memory_space<hbm>> -> memref<12288xf32, #tpu.memory_space<hbm>>
      tpu.enqueue_dma source(%dma_start3A_72 : memref<12288xf32, #tpu.memory_space<hbm>>) target(%arg5 : memref<12288xf32, #tpu.memory_space<vmem>>) target_semaphore(%run_scoped3A : memref<!tpu.dma_semaphore, #tpu.memory_space<semaphore_mem>>)
      %dma_wait3A = tpu.memref_slice %arg2[%mul3A_65] : memref<65536xf32, #tpu.memory_space<hbm>> -> memref<12288xf32, #tpu.memory_space<hbm>>
      %dma_wait3A_73 = tpu.memref_slice %arg2[%mul3A_65] : memref<65536xf32, #tpu.memory_space<hbm>> -> memref<12288xf32, #tpu.memory_space<hbm>>
      tpu.wait_dma2 semaphore(%run_scoped3A : memref<!tpu.dma_semaphore, #tpu.memory_space<semaphore_mem>>) src(%dma_wait3A_73 : memref<12288xf32, #tpu.memory_space<hbm>>) dst(%arg5 : memref<12288xf32, #tpu.memory_space<vmem>>)
      tpu.yield
    }) : () -> ()
    %mul3A_66 = arith.constant 4096 : i32
    %mul3A_67 = arith.muli %add3A, %mul3A_66 : i32
    "tpu.region"() ({
      %run_scoped3A = tpu.sem_alloc : memref<!tpu.dma_semaphore, #tpu.memory_space<semaphore_mem>>
      %dma_start3A = tpu.memref_slice %arg3[%mul3A_67] : memref<131072xi32, #tpu.memory_space<hbm>> -> memref<4096xi32, #tpu.memory_space<hbm>>
      %dma_start3A_72 = tpu.memref_slice %arg3[%mul3A_67] : memref<131072xi32, #tpu.memory_space<hbm>> -> memref<4096xi32, #tpu.memory_space<hbm>>
      tpu.enqueue_dma source(%dma_start3A_72 : memref<4096xi32, #tpu.memory_space<hbm>>) target(%arg6 : memref<4096xi32, #tpu.memory_space<vmem>>) target_semaphore(%run_scoped3A : memref<!tpu.dma_semaphore, #tpu.memory_space<semaphore_mem>>)
      %dma_wait3A = tpu.memref_slice %arg3[%mul3A_67] : memref<131072xi32, #tpu.memory_space<hbm>> -> memref<4096xi32, #tpu.memory_space<hbm>>
      %dma_wait3A_73 = tpu.memref_slice %arg3[%mul3A_67] : memref<131072xi32, #tpu.memory_space<hbm>> -> memref<4096xi32, #tpu.memory_space<hbm>>
      tpu.wait_dma2 semaphore(%run_scoped3A : memref<!tpu.dma_semaphore, #tpu.memory_space<semaphore_mem>>) src(%dma_wait3A_73 : memref<4096xi32, #tpu.memory_space<hbm>>) dst(%arg6 : memref<4096xi32, #tpu.memory_space<vmem>>)
      tpu.yield
    }) : () -> ()
    %parallel_loop3A = arith.constant 0 : i32
    %parallel_loop3A_68 = arith.constant 256 : i32
    %parallel_loop3A_69 = arith.constant 1 : i32
    scf.for %parallel_loop3A_72 = %parallel_loop3A to %parallel_loop3A_68 step %parallel_loop3A_69  : i32 {
      %parallel_loop3A_73 = arith.constant 16 : i32
      %parallel_loop3A_74 = arith.muli %parallel_loop3A_72, %parallel_loop3A_73 : i32
      %parallel_loop3A_75 = arith.index_cast %parallel_loop3A_74 : i32 to index
      %parallel_loop3A_76 = tpu.vector_load %arg6[%parallel_loop3A_75] {strides = array<i32>} : memref<4096xi32, #tpu.memory_space<vmem>>, vector<16xi32>,
      %parallel_loop3A_77 = vector.broadcast %mul3A_63 : i32 to vector<16xi32>
      %parallel_loop3A_78 = arith.subi %parallel_loop3A_76, %parallel_loop3A_77 : vector<16xi32>
      %parallel_loop3A_79 = arith.constant 8 : i32
      %parallel_loop3A_80 = vector.broadcast %parallel_loop3A_79 : i32 to vector<16xi32>
      %parallel_loop3A_81 = arith.muli %parallel_loop3A_78, %parallel_loop3A_80 : vector<16xi32>
      %parallel_loop3A_82 = arith.constant 0 : i32
      %parallel_loop3A_83 = vector.broadcast %parallel_loop3A_82 : i32 to vector<16xi32>
      %parallel_loop3A_84 = arith.addi %parallel_loop3A_81, %parallel_loop3A_83 : vector<16xi32>
      %parallel_loop3A_85 = tpu.vector_load_idx %arg5[%parallel_loop3A_84] : memref<12288xf32, #tpu.memory_space<vmem>>[vector<16xi32>], vector<16xf32>,
      %parallel_loop3A_86 = arith.constant 16 : i32
      %parallel_loop3A_87 = arith.muli %parallel_loop3A_72, %parallel_loop3A_86 : i32
      %parallel_loop3A_88 = arith.constant 0 : i32
      %parallel_loop3A_89 = arith.index_cast %parallel_loop3A_88 : i32 to index
      %parallel_loop3A_90 = arith.index_cast %parallel_loop3A_87 : i32 to index
      %parallel_loop3A_91 = tpu.vector_load %arg7[%parallel_loop3A_89, %parallel_loop3A_90] {strides = array<i32>} : memref<8x4096xf32, #tpu.memory_space<vmem>>, vector<16xf32>,
      tpu.vector_store %arg7[%parallel_loop3A_89, %parallel_loop3A_90], %parallel_loop3A_85 {strides = array<i32>} : memref<8x4096xf32, #tpu.memory_space<vmem>>, vector<16xf32>,
      %parallel_loop3A_92 = arith.constant 1 : i32
      %parallel_loop3A_93 = vector.broadcast %parallel_loop3A_92 : i32 to vector<16xi32>
      %parallel_loop3A_94 = arith.addi %parallel_loop3A_81, %parallel_loop3A_93 : vector<16xi32>
      %parallel_loop3A_95 = tpu.vector_load_idx %arg5[%parallel_loop3A_94] : memref<12288xf32, #tpu.memory_space<vmem>>[vector<16xi32>], vector<16xf32>,
      %parallel_loop3A_96 = arith.constant 16 : i32
      %parallel_loop3A_97 = arith.muli %parallel_loop3A_72, %parallel_loop3A_96 : i32
      %parallel_loop3A_98 = arith.constant 1 : i32
      %parallel_loop3A_99 = arith.index_cast %parallel_loop3A_98 : i32 to index
      %parallel_loop3A_100 = arith.index_cast %parallel_loop3A_97 : i32 to index
      %parallel_loop3A_101 = tpu.vector_load %arg7[%parallel_loop3A_99, %parallel_loop3A_100] {strides = array<i32>} : memref<8x4096xf32, #tpu.memory_space<vmem>>, vector<16xf32>,
      tpu.vector_store %arg7[%parallel_loop3A_99, %parallel_loop3A_100], %parallel_loop3A_95 {strides = array<i32>} : memref<8x4096xf32, #tpu.memory_space<vmem>>, vector<16xf32>,
      %parallel_loop3A_102 = arith.constant 2 : i32
      %parallel_loop3A_103 = vector.broadcast %parallel_loop3A_102 : i32 to vector<16xi32>
      %parallel_loop3A_104 = arith.addi %parallel_loop3A_81, %parallel_loop3A_103 : vector<16xi32>
      %parallel_loop3A_105 = tpu.vector_load_idx %arg5[%parallel_loop3A_104] : memref<12288xf32, #tpu.memory_space<vmem>>[vector<16xi32>], vector<16xf32>,
      %parallel_loop3A_106 = arith.constant 16 : i32
      %parallel_loop3A_107 = arith.muli %parallel_loop3A_72, %parallel_loop3A_106 : i32
      %parallel_loop3A_108 = arith.constant 2 : i32
      %parallel_loop3A_109 = arith.index_cast %parallel_loop3A_108 : i32 to index
      %parallel_loop3A_110 = arith.index_cast %parallel_loop3A_107 : i32 to index
      %parallel_loop3A_111 = tpu.vector_load %arg7[%parallel_loop3A_109, %parallel_loop3A_110] {strides = array<i32>} : memref<8x4096xf32, #tpu.memory_space<vmem>>, vector<16xf32>,
      tpu.vector_store %arg7[%parallel_loop3A_109, %parallel_loop3A_110], %parallel_loop3A_105 {strides = array<i32>} : memref<8x4096xf32, #tpu.memory_space<vmem>>, vector<16xf32>,
      %parallel_loop3A_112 = arith.constant 3 : i32
      %parallel_loop3A_113 = vector.broadcast %parallel_loop3A_112 : i32 to vector<16xi32>
      %parallel_loop3A_114 = arith.addi %parallel_loop3A_81, %parallel_loop3A_113 : vector<16xi32>
      %parallel_loop3A_115 = tpu.vector_load_idx %arg5[%parallel_loop3A_114] : memref<12288xf32, #tpu.memory_space<vmem>>[vector<16xi32>], vector<16xf32>,
      %parallel_loop3A_116 = arith.constant 16 : i32
      %parallel_loop3A_117 = arith.muli %parallel_loop3A_72, %parallel_loop3A_116 : i32
      %parallel_loop3A_118 = arith.constant 3 : i32
      %parallel_loop3A_119 = arith.index_cast %parallel_loop3A_118 : i32 to index
      %parallel_loop3A_120 = arith.index_cast %parallel_loop3A_117 : i32 to index
      %parallel_loop3A_121 = tpu.vector_load %arg7[%parallel_loop3A_119, %parallel_loop3A_120] {strides = array<i32>} : memref<8x4096xf32, #tpu.memory_space<vmem>>, vector<16xf32>,
      tpu.vector_store %arg7[%parallel_loop3A_119, %parallel_loop3A_120], %parallel_loop3A_115 {strides = array<i32>} : memref<8x4096xf32, #tpu.memory_space<vmem>>, vector<16xf32>,
      %parallel_loop3A_122 = arith.constant 4 : i32
      %parallel_loop3A_123 = vector.broadcast %parallel_loop3A_122 : i32 to vector<16xi32>
      %parallel_loop3A_124 = arith.addi %parallel_loop3A_81, %parallel_loop3A_123 : vector<16xi32>
      %parallel_loop3A_125 = tpu.vector_load_idx %arg5[%parallel_loop3A_124] : memref<12288xf32, #tpu.memory_space<vmem>>[vector<16xi32>], vector<16xf32>,
      %parallel_loop3A_126 = arith.constant 16 : i32
      %parallel_loop3A_127 = arith.muli %parallel_loop3A_72, %parallel_loop3A_126 : i32
      %parallel_loop3A_128 = arith.constant 4 : i32
      %parallel_loop3A_129 = arith.index_cast %parallel_loop3A_128 : i32 to index
      %parallel_loop3A_130 = arith.index_cast %parallel_loop3A_127 : i32 to index
      %parallel_loop3A_131 = tpu.vector_load %arg7[%parallel_loop3A_129, %parallel_loop3A_130] {strides = array<i32>} : memref<8x4096xf32, #tpu.memory_space<vmem>>, vector<16xf32>,
      tpu.vector_store %arg7[%parallel_loop3A_129, %parallel_loop3A_130], %parallel_loop3A_125 {strides = array<i32>} : memref<8x4096xf32, #tpu.memory_space<vmem>>, vector<16xf32>,
      %parallel_loop3A_132 = arith.constant 5 : i32
      %parallel_loop3A_133 = vector.broadcast %parallel_loop3A_132 : i32 to vector<16xi32>
      %parallel_loop3A_134 = arith.addi %parallel_loop3A_81, %parallel_loop3A_133 : vector<16xi32>
      %parallel_loop3A_135 = tpu.vector_load_idx %arg5[%parallel_loop3A_134] : memref<12288xf32, #tpu.memory_space<vmem>>[vector<16xi32>], vector<16xf32>,
      %parallel_loop3A_136 = arith.constant 16 : i32
      %parallel_loop3A_137 = arith.muli %parallel_loop3A_72, %parallel_loop3A_136 : i32
      %parallel_loop3A_138 = arith.constant 5 : i32
      %parallel_loop3A_139 = arith.index_cast %parallel_loop3A_138 : i32 to index
      %parallel_loop3A_140 = arith.index_cast %parallel_loop3A_137 : i32 to index
      %parallel_loop3A_141 = tpu.vector_load %arg7[%parallel_loop3A_139, %parallel_loop3A_140] {strides = array<i32>} : memref<8x4096xf32, #tpu.memory_space<vmem>>, vector<16xf32>,
      tpu.vector_store %arg7[%parallel_loop3A_139, %parallel_loop3A_140], %parallel_loop3A_135 {strides = array<i32>} : memref<8x4096xf32, #tpu.memory_space<vmem>>, vector<16xf32>,
      %parallel_loop3A_142 = arith.constant 6 : i32
      %parallel_loop3A_143 = vector.broadcast %parallel_loop3A_142 : i32 to vector<16xi32>
      %parallel_loop3A_144 = arith.addi %parallel_loop3A_81, %parallel_loop3A_143 : vector<16xi32>
      %parallel_loop3A_145 = tpu.vector_load_idx %arg5[%parallel_loop3A_144] : memref<12288xf32, #tpu.memory_space<vmem>>[vector<16xi32>], vector<16xf32>,
      %parallel_loop3A_146 = arith.constant 16 : i32
      %parallel_loop3A_147 = arith.muli %parallel_loop3A_72, %parallel_loop3A_146 : i32
      %parallel_loop3A_148 = arith.constant 6 : i32
      %parallel_loop3A_149 = arith.index_cast %parallel_loop3A_148 : i32 to index
      %parallel_loop3A_150 = arith.index_cast %parallel_loop3A_147 : i32 to index
      %parallel_loop3A_151 = tpu.vector_load %arg7[%parallel_loop3A_149, %parallel_loop3A_150] {strides = array<i32>} : memref<8x4096xf32, #tpu.memory_space<vmem>>, vector<16xf32>,
      tpu.vector_store %arg7[%parallel_loop3A_149, %parallel_loop3A_150], %parallel_loop3A_145 {strides = array<i32>} : memref<8x4096xf32, #tpu.memory_space<vmem>>, vector<16xf32>,
      %parallel_loop3A_152 = arith.constant 7 : i32
      %parallel_loop3A_153 = vector.broadcast %parallel_loop3A_152 : i32 to vector<16xi32>
      %parallel_loop3A_154 = arith.addi %parallel_loop3A_81, %parallel_loop3A_153 : vector<16xi32>
      %parallel_loop3A_155 = tpu.vector_load_idx %arg5[%parallel_loop3A_154] : memref<12288xf32, #tpu.memory_space<vmem>>[vector<16xi32>], vector<16xf32>,
      %parallel_loop3A_156 = arith.constant 16 : i32
      %parallel_loop3A_157 = arith.muli %parallel_loop3A_72, %parallel_loop3A_156 : i32
      %parallel_loop3A_158 = arith.constant 7 : i32
      %parallel_loop3A_159 = arith.index_cast %parallel_loop3A_158 : i32 to index
      %parallel_loop3A_160 = arith.index_cast %parallel_loop3A_157 : i32 to index
      %parallel_loop3A_161 = tpu.vector_load %arg7[%parallel_loop3A_159, %parallel_loop3A_160] {strides = array<i32>} : memref<8x4096xf32, #tpu.memory_space<vmem>>, vector<16xf32>,
      tpu.vector_store %arg7[%parallel_loop3A_159, %parallel_loop3A_160], %parallel_loop3A_155 {strides = array<i32>} : memref<8x4096xf32, #tpu.memory_space<vmem>>, vector<16xf32>,
    } {sc.loop_unroll_factor = 8 : i64, sc.parallel_access}
    %mul3A_70 = arith.constant 8 : i32
    %mul3A_71 = arith.muli %add3A, %mul3A_70 : i32
    "tpu.region"() ({
      %run_scoped3A = tpu.sem_alloc : memref<!tpu.dma_semaphore, #tpu.memory_space<semaphore_mem>>
      %dma_start3A = arith.constant 0 : i32
      %dma_start3A_72 = tpu.memref_slice %arg4[%mul3A_71, %dma_start3A] : memref<256x4096xf32, #tpu.memory_space<hbm>> -> memref<8x4096xf32, #tpu.memory_space<hbm>>
      %dma_start3A_73 = arith.constant 0 : i32
      %dma_start3A_74 = tpu.memref_slice %arg4[%mul3A_71, %dma_start3A_73] : memref<256x4096xf32, #tpu.memory_space<hbm>> -> memref<8x4096xf32, #tpu.memory_space<hbm>>
      tpu.enqueue_dma source(%arg7 : memref<8x4096xf32, #tpu.memory_space<vmem>>) target(%dma_start3A_74 : memref<8x4096xf32, #tpu.memory_space<hbm>>) target_semaphore(%run_scoped3A : memref<!tpu.dma_semaphore, #tpu.memory_space<semaphore_mem>>)
      %dma_wait3A = arith.constant 0 : i32
      %dma_wait3A_75 = tpu.memref_slice %arg4[%mul3A_71, %dma_wait3A] : memref<256x4096xf32, #tpu.memory_space<hbm>> -> memref<8x4096xf32, #tpu.memory_space<hbm>>
      %dma_wait3A_76 = arith.constant 0 : i32
      %dma_wait3A_77 = tpu.memref_slice %arg4[%mul3A_71, %dma_wait3A_76] : memref<256x4096xf32, #tpu.memory_space<hbm>> -> memref<8x4096xf32, #tpu.memory_space<hbm>>
      tpu.wait_dma2 semaphore(%run_scoped3A : memref<!tpu.dma_semaphore, #tpu.memory_space<semaphore_mem>>) src(%arg7 : memref<8x4096xf32, #tpu.memory_space<vmem>>) dst(%dma_wait3A_77 : memref<8x4096xf32, #tpu.memory_space<hbm>>)
      tpu.yield
    }) : () -> ()
    return
  }
}

module attributes {stable_mosaic.version = 14 : i64} {
  func.func @_topk_body(%arg0: i32, %arg1: i32, %arg2: memref<1x1x8x512xf32, #tpu.memory_space<vmem>>, %arg3: memref<1x1x512x8xf32, #tpu.memory_space<vmem>>, %arg4: memref<1x1x512x8xf32, #tpu.memory_space<vmem>>, %arg5: memref<1x1x512x8xf32, #tpu.memory_space<vmem>>, %arg6: memref<1x16x512xi32, #tpu.memory_space<vmem>>) attributes {dimension_semantics = [#tpu.dimension_semantics<arbitrary>, #tpu.dimension_semantics<arbitrary>], iteration_bounds = array<i64: 2, 8>, scalar_prefetch = 0 : i64, scratch_operands = 0 : i64, tpu.core_type = #tpu.core_type<tc>, window_params = [{transform_indices = @transform_0, window_bounds = array<i64: 1, 1, 8, 512>}, {transform_indices = @transform_1, window_bounds = array<i64: 1, 1, 512, 8>}, {transform_indices = @transform_2, window_bounds = array<i64: 1, 1, 512, 8>}, {transform_indices = @transform_3, window_bounds = array<i64: 1, 1, 512, 8>}, {transform_indices = @transform_4, window_bounds = array<i64: 1, 16, 512>}]} {
    %get3A = arith.constant 0 : index
    %get3A_0 = arith.constant 0 : index
    %get3A_1 = arith.constant 0 : index
    %get3A_2 = arith.constant 0 : index
    %get3A_3 = vector.load %arg2[%get3A, %get3A_0, %get3A_1, %get3A_2] : memref<1x1x8x512xf32, #tpu.memory_space<vmem>>, vector<1x1x8x512xf32>
    %get3A_4 = vector.shape_cast %get3A_3 : vector<1x1x8x512xf32> to vector<8x512xf32>
    %get3A_5 = arith.constant 0 : index
    %get3A_6 = arith.constant 0 : index
    %get3A_7 = arith.constant 0 : index
    %get3A_8 = arith.constant 0 : index
    %get3A_9 = vector.load %arg3[%get3A_5, %get3A_6, %get3A_7, %get3A_8] : memref<1x1x512x8xf32, #tpu.memory_space<vmem>>, vector<1x1x512x8xf32>
    %get3A_10 = vector.shape_cast %get3A_9 : vector<1x1x512x8xf32> to vector<512x8xf32>
    %get3A_11 = arith.constant 0 : index
    %get3A_12 = arith.constant 0 : index
    %get3A_13 = arith.constant 0 : index
    %get3A_14 = arith.constant 0 : index
    %get3A_15 = vector.load %arg4[%get3A_11, %get3A_12, %get3A_13, %get3A_14] : memref<1x1x512x8xf32, #tpu.memory_space<vmem>>, vector<1x1x512x8xf32>
    %get3A_16 = vector.shape_cast %get3A_15 : vector<1x1x512x8xf32> to vector<512x8xf32>
    %get3A_17 = arith.constant 0 : index
    %get3A_18 = arith.constant 0 : index
    %get3A_19 = arith.constant 0 : index
    %get3A_20 = arith.constant 0 : index
    %get3A_21 = vector.load %arg5[%get3A_17, %get3A_18, %get3A_19, %get3A_20] : memref<1x1x512x8xf32, #tpu.memory_space<vmem>>, vector<1x1x512x8xf32>
    %get3A_22 = vector.shape_cast %get3A_21 : vector<1x1x512x8xf32> to vector<512x8xf32>
    %concatenate3A = tpu.concatenate %get3A_10, %get3A_16, %get3A_22 in 0 : vector<512x8xf32>, vector<512x8xf32>, vector<512x8xf32> -> vector<1536x8xf32>
    %broadcast_in_dim3A = arith.constant 0.000000e+00 : f32
    %broadcast_in_dim3A_23 = vector.broadcast %broadcast_in_dim3A : f32 to vector<1536x512xf32>
    %slice3A = vector.extract_strided_slice %get3A_4 {offsets = [0, 0], sizes = [1, 512], strides = [1, 1]} : vector<8x512xf32> to vector<1x512xf32>
    %slice3A_24 = vector.extract_strided_slice %concatenate3A {offsets = [0, 0], sizes = [1536, 1], strides = [1, 1]} : vector<1536x8xf32> to vector<1536x1xf32>
    %sub3A = vector.broadcast %slice3A : vector<1x512xf32> to vector<1536x512xf32>
    %sub3A_25 = vector.broadcast %slice3A_24 : vector<1536x1xf32> to vector<1536x512xf32>
    %sub3A_26 = arith.subf %sub3A, %sub3A_25 : vector<1536x512xf32>
    %mul3A = arith.mulf %sub3A_26, %sub3A_26 : vector<1536x512xf32>
    %add3A = arith.addf %broadcast_in_dim3A_23, %mul3A : vector<1536x512xf32>
    %slice3A_27 = vector.extract_strided_slice %get3A_4 {offsets = [1, 0], sizes = [1, 512], strides = [1, 1]} : vector<8x512xf32> to vector<1x512xf32>
    %slice3A_28 = vector.extract_strided_slice %concatenate3A {offsets = [0, 1], sizes = [1536, 1], strides = [1, 1]} : vector<1536x8xf32> to vector<1536x1xf32>
    %sub3A_29 = vector.broadcast %slice3A_27 : vector<1x512xf32> to vector<1536x512xf32>
    %sub3A_30 = vector.broadcast %slice3A_28 : vector<1536x1xf32> to vector<1536x512xf32>
    %sub3A_31 = arith.subf %sub3A_29, %sub3A_30 : vector<1536x512xf32>
    %mul3A_32 = arith.mulf %sub3A_31, %sub3A_31 : vector<1536x512xf32>
    %add3A_33 = arith.addf %add3A, %mul3A_32 : vector<1536x512xf32>
    %slice3A_34 = vector.extract_strided_slice %get3A_4 {offsets = [2, 0], sizes = [1, 512], strides = [1, 1]} : vector<8x512xf32> to vector<1x512xf32>
    %slice3A_35 = vector.extract_strided_slice %concatenate3A {offsets = [0, 2], sizes = [1536, 1], strides = [1, 1]} : vector<1536x8xf32> to vector<1536x1xf32>
    %sub3A_36 = vector.broadcast %slice3A_34 : vector<1x512xf32> to vector<1536x512xf32>
    %sub3A_37 = vector.broadcast %slice3A_35 : vector<1536x1xf32> to vector<1536x512xf32>
    %sub3A_38 = arith.subf %sub3A_36, %sub3A_37 : vector<1536x512xf32>
    %mul3A_39 = arith.mulf %sub3A_38, %sub3A_38 : vector<1536x512xf32>
    %add3A_40 = arith.addf %add3A_33, %mul3A_39 : vector<1536x512xf32>
    %iota3A = tpu.iota {dimensions = array<i32: 0>} : vector<1536x512xi32>
    %iota3A_41 = tpu.iota {dimensions = array<i32: 1>} : vector<1x512xi32>
    %eq3A = arith.constant 0 : i32
    %eq3A_42 = arith.cmpi eq, %arg1, %eq3A : i32
    %add3A_43 = arith.constant 512 : i32
    %add3A_44 = vector.broadcast %add3A_43 : i32 to vector<1x512xi32>
    %add3A_45 = arith.addi %iota3A_41, %add3A_44 : vector<1x512xi32>
    %select_n3A = arith.select %eq3A_42, %iota3A_41, %add3A_45 : vector<1x512xi32>
    %eq3A_46 = vector.broadcast %select_n3A : vector<1x512xi32> to vector<1536x512xi32>
    %eq3A_47 = arith.cmpi eq, %iota3A, %eq3A_46 : vector<1536x512xi32>
    %jit3A = arith.constant 0x7F800000 : f32
    %broadcast_in_dim3A_48 = vector.broadcast %jit3A : f32 to vector<1536x512xf32>
    %select_n3A_49 = arith.select %eq3A_47, %broadcast_in_dim3A_48, %add3A_40 : vector<1536x512xi1>, vector<1536x512xf32>
    %argmin3A = tpu.reduce_index %select_n3A_49 {axis = 0 : i32, kind = #tpu.reduction_kind<arg_min>} : vector<1536x512xf32> -> vector<512xi32>
    %broadcast_in_dim3A_50 = vector.shape_cast %argmin3A : vector<512xi32> to vector<1x512xi32>
    %eq3A_51 = vector.broadcast %broadcast_in_dim3A_50 : vector<1x512xi32> to vector<1536x512xi32>
    %eq3A_52 = arith.cmpi eq, %iota3A, %eq3A_51 : vector<1536x512xi32>
    %jit3A_53 = arith.constant 0x7F800000 : f32
    %broadcast_in_dim3A_54 = vector.broadcast %jit3A_53 : f32 to vector<1536x512xf32>
    %select_n3A_55 = arith.select %eq3A_52, %broadcast_in_dim3A_54, %select_n3A_49 : vector<1536x512xi1>, vector<1536x512xf32>
    %argmin3A_56 = tpu.reduce_index %select_n3A_55 {axis = 0 : i32, kind = #tpu.reduction_kind<arg_min>} : vector<1536x512xf32> -> vector<512xi32>
    %broadcast_in_dim3A_57 = vector.shape_cast %argmin3A_56 : vector<512xi32> to vector<1x512xi32>
    %eq3A_58 = vector.broadcast %broadcast_in_dim3A_57 : vector<1x512xi32> to vector<1536x512xi32>
    %eq3A_59 = arith.cmpi eq, %iota3A, %eq3A_58 : vector<1536x512xi32>
    %jit3A_60 = arith.constant 0x7F800000 : f32
    %broadcast_in_dim3A_61 = vector.broadcast %jit3A_60 : f32 to vector<1536x512xf32>
    %select_n3A_62 = arith.select %eq3A_59, %broadcast_in_dim3A_61, %select_n3A_55 : vector<1536x512xi1>, vector<1536x512xf32>
    %argmin3A_63 = tpu.reduce_index %select_n3A_62 {axis = 0 : i32, kind = #tpu.reduction_kind<arg_min>} : vector<1536x512xf32> -> vector<512xi32>
    %broadcast_in_dim3A_64 = vector.shape_cast %argmin3A_63 : vector<512xi32> to vector<1x512xi32>
    %eq3A_65 = vector.broadcast %broadcast_in_dim3A_64 : vector<1x512xi32> to vector<1536x512xi32>
    %eq3A_66 = arith.cmpi eq, %iota3A, %eq3A_65 : vector<1536x512xi32>
    %jit3A_67 = arith.constant 0x7F800000 : f32
    %broadcast_in_dim3A_68 = vector.broadcast %jit3A_67 : f32 to vector<1536x512xf32>
    %select_n3A_69 = arith.select %eq3A_66, %broadcast_in_dim3A_68, %select_n3A_62 : vector<1536x512xi1>, vector<1536x512xf32>
    %argmin3A_70 = tpu.reduce_index %select_n3A_69 {axis = 0 : i32, kind = #tpu.reduction_kind<arg_min>} : vector<1536x512xf32> -> vector<512xi32>
    %broadcast_in_dim3A_71 = vector.shape_cast %argmin3A_70 : vector<512xi32> to vector<1x512xi32>
    %eq3A_72 = vector.broadcast %broadcast_in_dim3A_71 : vector<1x512xi32> to vector<1536x512xi32>
    %eq3A_73 = arith.cmpi eq, %iota3A, %eq3A_72 : vector<1536x512xi32>
    %jit3A_74 = arith.constant 0x7F800000 : f32
    %broadcast_in_dim3A_75 = vector.broadcast %jit3A_74 : f32 to vector<1536x512xf32>
    %select_n3A_76 = arith.select %eq3A_73, %broadcast_in_dim3A_75, %select_n3A_69 : vector<1536x512xi1>, vector<1536x512xf32>
    %argmin3A_77 = tpu.reduce_index %select_n3A_76 {axis = 0 : i32, kind = #tpu.reduction_kind<arg_min>} : vector<1536x512xf32> -> vector<512xi32>
    %broadcast_in_dim3A_78 = vector.shape_cast %argmin3A_77 : vector<512xi32> to vector<1x512xi32>
    %eq3A_79 = vector.broadcast %broadcast_in_dim3A_78 : vector<1x512xi32> to vector<1536x512xi32>
    %eq3A_80 = arith.cmpi eq, %iota3A, %eq3A_79 : vector<1536x512xi32>
    %jit3A_81 = arith.constant 0x7F800000 : f32
    %broadcast_in_dim3A_82 = vector.broadcast %jit3A_81 : f32 to vector<1536x512xf32>
    %select_n3A_83 = arith.select %eq3A_80, %broadcast_in_dim3A_82, %select_n3A_76 : vector<1536x512xi1>, vector<1536x512xf32>
    %argmin3A_84 = tpu.reduce_index %select_n3A_83 {axis = 0 : i32, kind = #tpu.reduction_kind<arg_min>} : vector<1536x512xf32> -> vector<512xi32>
    %broadcast_in_dim3A_85 = vector.shape_cast %argmin3A_84 : vector<512xi32> to vector<1x512xi32>
    %eq3A_86 = vector.broadcast %broadcast_in_dim3A_85 : vector<1x512xi32> to vector<1536x512xi32>
    %eq3A_87 = arith.cmpi eq, %iota3A, %eq3A_86 : vector<1536x512xi32>
    %jit3A_88 = arith.constant 0x7F800000 : f32
    %broadcast_in_dim3A_89 = vector.broadcast %jit3A_88 : f32 to vector<1536x512xf32>
    %select_n3A_90 = arith.select %eq3A_87, %broadcast_in_dim3A_89, %select_n3A_83 : vector<1536x512xi1>, vector<1536x512xf32>
    %argmin3A_91 = tpu.reduce_index %select_n3A_90 {axis = 0 : i32, kind = #tpu.reduction_kind<arg_min>} : vector<1536x512xf32> -> vector<512xi32>
    %broadcast_in_dim3A_92 = vector.shape_cast %argmin3A_91 : vector<512xi32> to vector<1x512xi32>
    %eq3A_93 = vector.broadcast %broadcast_in_dim3A_92 : vector<1x512xi32> to vector<1536x512xi32>
    %eq3A_94 = arith.cmpi eq, %iota3A, %eq3A_93 : vector<1536x512xi32>
    %jit3A_95 = arith.constant 0x7F800000 : f32
    %broadcast_in_dim3A_96 = vector.broadcast %jit3A_95 : f32 to vector<1536x512xf32>
    %select_n3A_97 = arith.select %eq3A_94, %broadcast_in_dim3A_96, %select_n3A_90 : vector<1536x512xi1>, vector<1536x512xf32>
    %argmin3A_98 = tpu.reduce_index %select_n3A_97 {axis = 0 : i32, kind = #tpu.reduction_kind<arg_min>} : vector<1536x512xf32> -> vector<512xi32>
    %broadcast_in_dim3A_99 = vector.shape_cast %argmin3A_98 : vector<512xi32> to vector<1x512xi32>
    %eq3A_100 = vector.broadcast %broadcast_in_dim3A_99 : vector<1x512xi32> to vector<1536x512xi32>
    %eq3A_101 = arith.cmpi eq, %iota3A, %eq3A_100 : vector<1536x512xi32>
    %jit3A_102 = arith.constant 0x7F800000 : f32
    %broadcast_in_dim3A_103 = vector.broadcast %jit3A_102 : f32 to vector<1536x512xf32>
    %select_n3A_104 = arith.select %eq3A_101, %broadcast_in_dim3A_103, %select_n3A_97 : vector<1536x512xi1>, vector<1536x512xf32>
    %argmin3A_105 = tpu.reduce_index %select_n3A_104 {axis = 0 : i32, kind = #tpu.reduction_kind<arg_min>} : vector<1536x512xf32> -> vector<512xi32>
    %broadcast_in_dim3A_106 = vector.shape_cast %argmin3A_105 : vector<512xi32> to vector<1x512xi32>
    %eq3A_107 = vector.broadcast %broadcast_in_dim3A_106 : vector<1x512xi32> to vector<1536x512xi32>
    %eq3A_108 = arith.cmpi eq, %iota3A, %eq3A_107 : vector<1536x512xi32>
    %jit3A_109 = arith.constant 0x7F800000 : f32
    %broadcast_in_dim3A_110 = vector.broadcast %jit3A_109 : f32 to vector<1536x512xf32>
    %select_n3A_111 = arith.select %eq3A_108, %broadcast_in_dim3A_110, %select_n3A_104 : vector<1536x512xi1>, vector<1536x512xf32>
    %argmin3A_112 = tpu.reduce_index %select_n3A_111 {axis = 0 : i32, kind = #tpu.reduction_kind<arg_min>} : vector<1536x512xf32> -> vector<512xi32>
    %broadcast_in_dim3A_113 = vector.shape_cast %argmin3A_112 : vector<512xi32> to vector<1x512xi32>
    %eq3A_114 = vector.broadcast %broadcast_in_dim3A_113 : vector<1x512xi32> to vector<1536x512xi32>
    %eq3A_115 = arith.cmpi eq, %iota3A, %eq3A_114 : vector<1536x512xi32>
    %jit3A_116 = arith.constant 0x7F800000 : f32
    %broadcast_in_dim3A_117 = vector.broadcast %jit3A_116 : f32 to vector<1536x512xf32>
    %select_n3A_118 = arith.select %eq3A_115, %broadcast_in_dim3A_117, %select_n3A_111 : vector<1536x512xi1>, vector<1536x512xf32>
    %argmin3A_119 = tpu.reduce_index %select_n3A_118 {axis = 0 : i32, kind = #tpu.reduction_kind<arg_min>} : vector<1536x512xf32> -> vector<512xi32>
    %broadcast_in_dim3A_120 = vector.shape_cast %argmin3A_119 : vector<512xi32> to vector<1x512xi32>
    %eq3A_121 = vector.broadcast %broadcast_in_dim3A_120 : vector<1x512xi32> to vector<1536x512xi32>
    %eq3A_122 = arith.cmpi eq, %iota3A, %eq3A_121 : vector<1536x512xi32>
    %jit3A_123 = arith.constant 0x7F800000 : f32
    %broadcast_in_dim3A_124 = vector.broadcast %jit3A_123 : f32 to vector<1536x512xf32>
    %select_n3A_125 = arith.select %eq3A_122, %broadcast_in_dim3A_124, %select_n3A_118 : vector<1536x512xi1>, vector<1536x512xf32>
    %argmin3A_126 = tpu.reduce_index %select_n3A_125 {axis = 0 : i32, kind = #tpu.reduction_kind<arg_min>} : vector<1536x512xf32> -> vector<512xi32>
    %broadcast_in_dim3A_127 = vector.shape_cast %argmin3A_126 : vector<512xi32> to vector<1x512xi32>
    %eq3A_128 = vector.broadcast %broadcast_in_dim3A_127 : vector<1x512xi32> to vector<1536x512xi32>
    %eq3A_129 = arith.cmpi eq, %iota3A, %eq3A_128 : vector<1536x512xi32>
    %jit3A_130 = arith.constant 0x7F800000 : f32
    %broadcast_in_dim3A_131 = vector.broadcast %jit3A_130 : f32 to vector<1536x512xf32>
    %select_n3A_132 = arith.select %eq3A_129, %broadcast_in_dim3A_131, %select_n3A_125 : vector<1536x512xi1>, vector<1536x512xf32>
    %argmin3A_133 = tpu.reduce_index %select_n3A_132 {axis = 0 : i32, kind = #tpu.reduction_kind<arg_min>} : vector<1536x512xf32> -> vector<512xi32>
    %broadcast_in_dim3A_134 = vector.shape_cast %argmin3A_133 : vector<512xi32> to vector<1x512xi32>
    %eq3A_135 = vector.broadcast %broadcast_in_dim3A_134 : vector<1x512xi32> to vector<1536x512xi32>
    %eq3A_136 = arith.cmpi eq, %iota3A, %eq3A_135 : vector<1536x512xi32>
    %jit3A_137 = arith.constant 0x7F800000 : f32
    %broadcast_in_dim3A_138 = vector.broadcast %jit3A_137 : f32 to vector<1536x512xf32>
    %select_n3A_139 = arith.select %eq3A_136, %broadcast_in_dim3A_138, %select_n3A_132 : vector<1536x512xi1>, vector<1536x512xf32>
    %argmin3A_140 = tpu.reduce_index %select_n3A_139 {axis = 0 : i32, kind = #tpu.reduction_kind<arg_min>} : vector<1536x512xf32> -> vector<512xi32>
    %broadcast_in_dim3A_141 = vector.shape_cast %argmin3A_140 : vector<512xi32> to vector<1x512xi32>
    %eq3A_142 = vector.broadcast %broadcast_in_dim3A_141 : vector<1x512xi32> to vector<1536x512xi32>
    %eq3A_143 = arith.cmpi eq, %iota3A, %eq3A_142 : vector<1536x512xi32>
    %jit3A_144 = arith.constant 0x7F800000 : f32
    %broadcast_in_dim3A_145 = vector.broadcast %jit3A_144 : f32 to vector<1536x512xf32>
    %select_n3A_146 = arith.select %eq3A_143, %broadcast_in_dim3A_145, %select_n3A_139 : vector<1536x512xi1>, vector<1536x512xf32>
    %argmin3A_147 = tpu.reduce_index %select_n3A_146 {axis = 0 : i32, kind = #tpu.reduction_kind<arg_min>} : vector<1536x512xf32> -> vector<512xi32>
    %broadcast_in_dim3A_148 = vector.shape_cast %argmin3A_147 : vector<512xi32> to vector<1x512xi32>
    %concatenate3A_149 = tpu.concatenate %select_n3A, %broadcast_in_dim3A_50, %broadcast_in_dim3A_57, %broadcast_in_dim3A_64, %broadcast_in_dim3A_71, %broadcast_in_dim3A_78, %broadcast_in_dim3A_85, %broadcast_in_dim3A_92, %broadcast_in_dim3A_99, %broadcast_in_dim3A_106, %broadcast_in_dim3A_113, %broadcast_in_dim3A_120, %broadcast_in_dim3A_127, %broadcast_in_dim3A_134, %broadcast_in_dim3A_141, %broadcast_in_dim3A_148 in 0 : vector<1x512xi32>, vector<1x512xi32>, vector<1x512xi32>, vector<1x512xi32>, vector<1x512xi32>, vector<1x512xi32>, vector<1x512xi32>, vector<1x512xi32>, vector<1x512xi32>, vector<1x512xi32>, vector<1x512xi32>, vector<1x512xi32>, vector<1x512xi32>, vector<1x512xi32>, vector<1x512xi32>, vector<1x512xi32> -> vector<16x512xi32>
    %shift_right_arithmetic3A = arith.constant 9 : i32
    %shift_right_arithmetic3A_150 = vector.broadcast %shift_right_arithmetic3A : i32 to vector<16x512xi32>
    %shift_right_arithmetic3A_151 = arith.shrsi %concatenate3A_149, %shift_right_arithmetic3A_150 : vector<16x512xi32>
    %and3A = arith.constant 511 : i32
    %and3A_152 = vector.broadcast %and3A : i32 to vector<16x512xi32>
    %and3A_153 = arith.andi %concatenate3A_149, %and3A_152 : vector<16x512xi32>
    %sub3A_154 = arith.constant 1 : i32
    %sub3A_155 = arith.subi %arg1, %sub3A_154 : i32
    %add3A_156 = vector.broadcast %sub3A_155 : i32 to vector<16x512xi32>
    %add3A_157 = arith.addi %add3A_156, %shift_right_arithmetic3A_151 : vector<16x512xi32>
    %jit3A_158 = arith.constant 0 : i32
    %jit3A_159 = arith.constant 7 : i32
    %max3A = vector.broadcast %jit3A_158 : i32 to vector<16x512xi32>
    %max3A_160 = arith.maxsi %max3A, %add3A_157 : vector<16x512xi32>
    %min3A = vector.broadcast %jit3A_159 : i32 to vector<16x512xi32>
    %min3A_161 = arith.minsi %min3A, %max3A_160 : vector<16x512xi32>
    %mul3A_162 = arith.constant 8 : i32
    %mul3A_163 = arith.muli %arg0, %mul3A_162 : i32
    %add3A_164 = vector.broadcast %mul3A_163 : i32 to vector<16x512xi32>
    %add3A_165 = arith.addi %add3A_164, %min3A_161 : vector<16x512xi32>
    %shift_left3A = arith.constant 9 : i32
    %shift_left3A_166 = vector.broadcast %shift_left3A : i32 to vector<16x512xi32>
    %shift_left3A_167 = arith.shli %add3A_165, %shift_left3A_166 : vector<16x512xi32>
    %or3A = arith.ori %shift_left3A_167, %and3A_153 : vector<16x512xi32>
    %swap3A = arith.constant 0 : index
    %swap3A_168 = arith.constant 0 : index
    %swap3A_169 = arith.constant 0 : index
    %swap3A_170 = vector.load %arg6[%swap3A, %swap3A_168, %swap3A_169] : memref<1x16x512xi32, #tpu.memory_space<vmem>>, vector<1x16x512xi32>
    %swap3A_171 = vector.shape_cast %swap3A_170 : vector<1x16x512xi32> to vector<16x512xi32>
    %swap3A_172 = vector.shape_cast %or3A : vector<16x512xi32> to vector<1x16x512xi32>
    tpu.vector_store %arg6[%swap3A, %swap3A_168, %swap3A_169], %swap3A_172 {strides = array<i32>} : memref<1x16x512xi32, #tpu.memory_space<vmem>>, vector<1x16x512xi32>,
    return
  }
  func.func @transform_0(%arg0: i32, %arg1: i32) -> (i32, i32, i32, i32) {
    %c0_i32 = arith.constant 0 : i32
    %c0_i32_0 = arith.constant 0 : i32
    %c0_i32_1 = arith.constant 0 : i32
    return %arg0, %arg1, %c0_i32, %c0_i32_0 : i32, i32, i32, i32
  }
  func.func @transform_1(%arg0: i32, %arg1: i32) -> (i32, i32, i32, i32) {
    %sub3A = arith.constant 1 : i32
    %sub3A_0 = arith.subi %arg1, %sub3A : i32
    %max3A = arith.constant 0 : i32
    %max3A_1 = arith.maxsi %sub3A_0, %max3A : i32
    %c0_i32 = arith.constant 0 : i32
    %c0_i32_2 = arith.constant 0 : i32
    %c0_i32_3 = arith.constant 0 : i32
    return %arg0, %max3A_1, %c0_i32, %c0_i32_2 : i32, i32, i32, i32
  }
  func.func @transform_2(%arg0: i32, %arg1: i32) -> (i32, i32, i32, i32) {
    %c0_i32 = arith.constant 0 : i32
    %c0_i32_0 = arith.constant 0 : i32
    %c0_i32_1 = arith.constant 0 : i32
    return %arg0, %arg1, %c0_i32, %c0_i32_0 : i32, i32, i32, i32
  }
  func.func @transform_3(%arg0: i32, %arg1: i32) -> (i32, i32, i32, i32) {
    %add3A = arith.constant 1 : i32
    %add3A_0 = arith.addi %arg1, %add3A : i32
    %min3A = arith.constant 7 : i32
    %min3A_1 = arith.minsi %add3A_0, %min3A : i32
    %c0_i32 = arith.constant 0 : i32
    %c0_i32_2 = arith.constant 0 : i32
    %c0_i32_3 = arith.constant 0 : i32
    return %arg0, %min3A_1, %c0_i32, %c0_i32_2 : i32, i32, i32, i32
  }
  func.func @transform_4(%arg0: i32, %arg1: i32) -> (i32, i32, i32) {
    %mul3A = arith.constant 8 : i32
    %mul3A_0 = arith.muli %arg0, %mul3A : i32
    %add3A = arith.addi %mul3A_0, %arg1 : i32
    %c0_i32 = arith.constant 0 : i32
    %c0_i32_1 = arith.constant 0 : i32
    %c0_i32_2 = arith.constant 0 : i32
    return %add3A, %c0_i32, %c0_i32_1 : i32, i32, i32
  }
}

module attributes {stable_mosaic.version = 14 : i64} {
  func.func @_attn_body(%arg0: i32, %arg1: i32, %arg2: memref<1x1x8x512xf32, #tpu.memory_space<vmem>>, %arg3: memref<1x128x512xf32, #tpu.memory_space<vmem>>, %arg4: memref<2x1024x192xf32, #tpu.memory_space<vmem>>, %arg5: memref<1024x2xf32, #tpu.memory_space<vmem>>, %arg6: memref<2x512x192xf32, #tpu.memory_space<vmem>>, %arg7: memref<512x2xf32, #tpu.memory_space<vmem>>, %arg8: memref<1x1x36x512xf32, #tpu.memory_space<vmem>>, %arg9: memref<1x1x36x512xf32, #tpu.memory_space<vmem>>) attributes {dimension_semantics = [#tpu.dimension_semantics<arbitrary>, #tpu.dimension_semantics<arbitrary>], iteration_bounds = array<i64: 2, 8>, scalar_prefetch = 0 : i64, scratch_operands = 0 : i64, tpu.core_type = #tpu.core_type<tc>, window_params = [{transform_indices = @transform_0, window_bounds = array<i64: 1, 1, 8, 512>}, {transform_indices = @transform_1, window_bounds = array<i64: 1, 128, 512>}, {pipeline_mode = #tpu.pipeline_mode<synchronous>, transform_indices = @transform_2, window_bounds = array<i64: 2, 1024, 192>}, {pipeline_mode = #tpu.pipeline_mode<synchronous>, transform_indices = @transform_3, window_bounds = array<i64: 1024, 2>}, {pipeline_mode = #tpu.pipeline_mode<synchronous>, transform_indices = @transform_4, window_bounds = array<i64: 2, 512, 192>}, {pipeline_mode = #tpu.pipeline_mode<synchronous>, transform_indices = @transform_5, window_bounds = array<i64: 512, 2>}, {transform_indices = @transform_6, window_bounds = array<i64: 1, 1, 36, 512>}, {transform_indices = @transform_7, window_bounds = array<i64: 1, 1, 36, 512>}]} {
    %get3A = arith.constant 0 : index
    %get3A_0 = arith.constant 0 : index
    %get3A_1 = arith.constant 0 : index
    %get3A_2 = arith.constant 0 : index
    %get3A_3 = vector.load %arg2[%get3A, %get3A_0, %get3A_1, %get3A_2] : memref<1x1x8x512xf32, #tpu.memory_space<vmem>>, vector<1x1x8x512xf32>
    %get3A_4 = vector.shape_cast %get3A_3 : vector<1x1x8x512xf32> to vector<8x512xf32>
    %get3A_5 = arith.constant 0 : index
    %get3A_6 = arith.constant 0 : index
    %get3A_7 = arith.constant 0 : index
    %get3A_8 = vector.load %arg3[%get3A_5, %get3A_6, %get3A_7] : memref<1x128x512xf32, #tpu.memory_space<vmem>>, vector<1x128x512xf32>
    %get3A_9 = vector.shape_cast %get3A_8 : vector<1x128x512xf32> to vector<128x512xf32>
    %slice3A = vector.extract_strided_slice %get3A_4 {offsets = [0, 0], sizes = [1, 512], strides = [1, 1]} : vector<8x512xf32> to vector<1x512xf32>
    %broadcast_in_dim3A = vector.shape_cast %slice3A : vector<1x512xf32> to vector<1x512xf32>
    %broadcast_in_dim3A_10 = vector.broadcast %broadcast_in_dim3A : vector<1x512xf32> to vector<16x512xf32>
    %slice3A_11 = vector.extract_strided_slice %get3A_4 {offsets = [1, 0], sizes = [1, 512], strides = [1, 1]} : vector<8x512xf32> to vector<1x512xf32>
    %broadcast_in_dim3A_12 = vector.shape_cast %slice3A_11 : vector<1x512xf32> to vector<1x512xf32>
    %broadcast_in_dim3A_13 = vector.broadcast %broadcast_in_dim3A_12 : vector<1x512xf32> to vector<16x512xf32>
    %slice3A_14 = vector.extract_strided_slice %get3A_4 {offsets = [2, 0], sizes = [1, 512], strides = [1, 1]} : vector<8x512xf32> to vector<1x512xf32>
    %broadcast_in_dim3A_15 = vector.shape_cast %slice3A_14 : vector<1x512xf32> to vector<1x512xf32>
    %broadcast_in_dim3A_16 = vector.broadcast %broadcast_in_dim3A_15 : vector<1x512xf32> to vector<16x512xf32>
    %slice3A_17 = vector.extract_strided_slice %get3A_4 {offsets = [3, 0], sizes = [1, 512], strides = [1, 1]} : vector<8x512xf32> to vector<1x512xf32>
    %broadcast_in_dim3A_18 = vector.shape_cast %slice3A_17 : vector<1x512xf32> to vector<1x512xf32>
    %broadcast_in_dim3A_19 = vector.broadcast %broadcast_in_dim3A_18 : vector<1x512xf32> to vector<16x512xf32>
    %slice3A_20 = vector.extract_strided_slice %get3A_4 {offsets = [4, 0], sizes = [1, 512], strides = [1, 1]} : vector<8x512xf32> to vector<1x512xf32>
    %broadcast_in_dim3A_21 = vector.shape_cast %slice3A_20 : vector<1x512xf32> to vector<1x512xf32>
    %broadcast_in_dim3A_22 = vector.broadcast %broadcast_in_dim3A_21 : vector<1x512xf32> to vector<16x512xf32>
    %slice3A_23 = vector.extract_strided_slice %get3A_4 {offsets = [5, 0], sizes = [1, 512], strides = [1, 1]} : vector<8x512xf32> to vector<1x512xf32>
    %broadcast_in_dim3A_24 = vector.shape_cast %slice3A_23 : vector<1x512xf32> to vector<1x512xf32>
    %broadcast_in_dim3A_25 = vector.broadcast %broadcast_in_dim3A_24 : vector<1x512xf32> to vector<16x512xf32>
    %slice3A_26 = vector.extract_strided_slice %get3A_4 {offsets = [6, 0], sizes = [1, 512], strides = [1, 1]} : vector<8x512xf32> to vector<1x512xf32>
    %broadcast_in_dim3A_27 = vector.shape_cast %slice3A_26 : vector<1x512xf32> to vector<1x512xf32>
    %broadcast_in_dim3A_28 = vector.broadcast %broadcast_in_dim3A_27 : vector<1x512xf32> to vector<16x512xf32>
    %slice3A_29 = vector.extract_strided_slice %get3A_4 {offsets = [7, 0], sizes = [1, 512], strides = [1, 1]} : vector<8x512xf32> to vector<1x512xf32>
    %broadcast_in_dim3A_30 = vector.shape_cast %slice3A_29 : vector<1x512xf32> to vector<1x512xf32>
    %broadcast_in_dim3A_31 = vector.broadcast %broadcast_in_dim3A_30 : vector<1x512xf32> to vector<16x512xf32>
    %concatenate3A = tpu.concatenate %broadcast_in_dim3A_10, %broadcast_in_dim3A_13, %broadcast_in_dim3A_16, %broadcast_in_dim3A_19, %broadcast_in_dim3A_22, %broadcast_in_dim3A_25, %broadcast_in_dim3A_28, %broadcast_in_dim3A_31 in 0 : vector<16x512xf32>, vector<16x512xf32>, vector<16x512xf32>, vector<16x512xf32>, vector<16x512xf32>, vector<16x512xf32>, vector<16x512xf32>, vector<16x512xf32> -> vector<128x512xf32>
    %slice3A_32 = vector.extract_strided_slice %concatenate3A {offsets = [0, 0], sizes = [64, 512], strides = [1, 1]} : vector<128x512xf32> to vector<64x512xf32>
    %slice3A_33 = vector.extract_strided_slice %get3A_9 {offsets = [0, 0], sizes = [64, 512], strides = [1, 1]} : vector<128x512xf32> to vector<64x512xf32>
    %sub3A = arith.subf %slice3A_32, %slice3A_33 : vector<64x512xf32>
    %slice3A_34 = vector.extract_strided_slice %concatenate3A {offsets = [64, 0], sizes = [64, 512], strides = [1, 1]} : vector<128x512xf32> to vector<64x512xf32>
    %slice3A_35 = vector.extract_strided_slice %get3A_9 {offsets = [64, 0], sizes = [64, 512], strides = [1, 1]} : vector<128x512xf32> to vector<64x512xf32>
    %concatenate3A_36 = tpu.concatenate %sub3A, %slice3A_34, %slice3A_35 in 0 : vector<64x512xf32>, vector<64x512xf32>, vector<64x512xf32> -> vector<192x512xf32>
    %get3A_37 = arith.constant 0 : index
    %get3A_38 = arith.constant 0 : index
    %get3A_39 = arith.constant 0 : index
    %get3A_40 = vector.load %arg4[%get3A_37, %get3A_38, %get3A_39] : memref<2x1024x192xf32, #tpu.memory_space<vmem>>, vector<1x1024x192xf32>
    %get3A_41 = vector.shape_cast %get3A_40 : vector<1x1024x192xf32> to vector<1024x192xf32>
    %dot_general3A = arith.constant dense<0.000000e+00> : vector<1024x512xf32>
    %dot_general3A_42 = tpu.matmul %get3A_41, %concatenate3A_36, %dot_general3A {dimension_numbers = #tpu.dot_dimension_numbers<[1], [0], [0], [1], [0, 0, 1, 1], [], []>, transpose_lhs_hint = false} : vector<1024x192xf32>, vector<192x512xf32>, vector<1024x512xf32> -> vector<1024x512xf32>
    %get3A_43 = arith.constant 0 : index
    %get3A_44 = arith.constant 0 : index
    %get3A_45 = vector.load %arg5[%get3A_43, %get3A_44] : memref<1024x2xf32, #tpu.memory_space<vmem>>, vector<1024x1xf32>
    %add3A = vector.broadcast %get3A_45 : vector<1024x1xf32> to vector<1024x512xf32>
    %add3A_46 = arith.addf %dot_general3A_42, %add3A : vector<1024x512xf32>
    %get3A_47 = arith.constant 0 : index
    %get3A_48 = arith.constant 0 : index
    %get3A_49 = arith.constant 0 : index
    %get3A_50 = vector.load %arg6[%get3A_47, %get3A_48, %get3A_49] : memref<2x512x192xf32, #tpu.memory_space<vmem>>, vector<1x512x192xf32>
    %get3A_51 = vector.shape_cast %get3A_50 : vector<1x512x192xf32> to vector<512x192xf32>
    %dot_general3A_52 = arith.constant dense<0.000000e+00> : vector<512x512xf32>
    %dot_general3A_53 = tpu.matmul %get3A_51, %concatenate3A_36, %dot_general3A_52 {dimension_numbers = #tpu.dot_dimension_numbers<[1], [0], [0], [1], [0, 0, 1, 1], [], []>, transpose_lhs_hint = false} : vector<512x192xf32>, vector<192x512xf32>, vector<512x512xf32> -> vector<512x512xf32>
    %get3A_54 = arith.constant 0 : index
    %get3A_55 = arith.constant 0 : index
    %get3A_56 = vector.load %arg7[%get3A_54, %get3A_55] : memref<512x2xf32, #tpu.memory_space<vmem>>, vector<512x1xf32>
    %add3A_57 = vector.broadcast %get3A_56 : vector<512x1xf32> to vector<512x512xf32>
    %add3A_58 = arith.addf %dot_general3A_53, %add3A_57 : vector<512x512xf32>
    %slice3A_59 = vector.extract_strided_slice %add3A_46 {offsets = [0, 0], sizes = [16, 512], strides = [1, 1]} : vector<1024x512xf32> to vector<16x512xf32>
    %broadcast_in_dim3A_60 = vector.shape_cast %slice3A_59 : vector<16x512xf32> to vector<16x1x512xf32>
    %slice3A_61 = vector.extract_strided_slice %add3A_46 {offsets = [512, 0], sizes = [16, 512], strides = [1, 1]} : vector<1024x512xf32> to vector<16x512xf32>
    %broadcast_in_dim3A_62 = vector.shape_cast %slice3A_61 : vector<16x512xf32> to vector<1x16x512xf32>
    %mul3A = vector.broadcast %broadcast_in_dim3A_60 : vector<16x1x512xf32> to vector<16x16x512xf32>
    %mul3A_63 = vector.broadcast %broadcast_in_dim3A_62 : vector<1x16x512xf32> to vector<16x16x512xf32>
    %mul3A_64 = arith.mulf %mul3A, %mul3A_63 : vector<16x16x512xf32>
    %slice3A_65 = vector.extract_strided_slice %add3A_46 {offsets = [16, 0], sizes = [16, 512], strides = [1, 1]} : vector<1024x512xf32> to vector<16x512xf32>
    %broadcast_in_dim3A_66 = vector.shape_cast %slice3A_65 : vector<16x512xf32> to vector<16x1x512xf32>
    %slice3A_67 = vector.extract_strided_slice %add3A_46 {offsets = [528, 0], sizes = [16, 512], strides = [1, 1]} : vector<1024x512xf32> to vector<16x512xf32>
    %broadcast_in_dim3A_68 = vector.shape_cast %slice3A_67 : vector<16x512xf32> to vector<1x16x512xf32>
    %mul3A_69 = vector.broadcast %broadcast_in_dim3A_66 : vector<16x1x512xf32> to vector<16x16x512xf32>
    %mul3A_70 = vector.broadcast %broadcast_in_dim3A_68 : vector<1x16x512xf32> to vector<16x16x512xf32>
    %mul3A_71 = arith.mulf %mul3A_69, %mul3A_70 : vector<16x16x512xf32>
    %add3A_72 = arith.addf %mul3A_64, %mul3A_71 : vector<16x16x512xf32>
    %slice3A_73 = vector.extract_strided_slice %add3A_46 {offsets = [32, 0], sizes = [16, 512], strides = [1, 1]} : vector<1024x512xf32> to vector<16x512xf32>
    %broadcast_in_dim3A_74 = vector.shape_cast %slice3A_73 : vector<16x512xf32> to vector<16x1x512xf32>
    %slice3A_75 = vector.extract_strided_slice %add3A_46 {offsets = [544, 0], sizes = [16, 512], strides = [1, 1]} : vector<1024x512xf32> to vector<16x512xf32>
    %broadcast_in_dim3A_76 = vector.shape_cast %slice3A_75 : vector<16x512xf32> to vector<1x16x512xf32>
    %mul3A_77 = vector.broadcast %broadcast_in_dim3A_74 : vector<16x1x512xf32> to vector<16x16x512xf32>
    %mul3A_78 = vector.broadcast %broadcast_in_dim3A_76 : vector<1x16x512xf32> to vector<16x16x512xf32>
    %mul3A_79 = arith.mulf %mul3A_77, %mul3A_78 : vector<16x16x512xf32>
    %add3A_80 = arith.addf %add3A_72, %mul3A_79 : vector<16x16x512xf32>
    %slice3A_81 = vector.extract_strided_slice %add3A_46 {offsets = [48, 0], sizes = [16, 512], strides = [1, 1]} : vector<1024x512xf32> to vector<16x512xf32>
    %broadcast_in_dim3A_82 = vector.shape_cast %slice3A_81 : vector<16x512xf32> to vector<16x1x512xf32>
    %slice3A_83 = vector.extract_strided_slice %add3A_46 {offsets = [560, 0], sizes = [16, 512], strides = [1, 1]} : vector<1024x512xf32> to vector<16x512xf32>
    %broadcast_in_dim3A_84 = vector.shape_cast %slice3A_83 : vector<16x512xf32> to vector<1x16x512xf32>
    %mul3A_85 = vector.broadcast %broadcast_in_dim3A_82 : vector<16x1x512xf32> to vector<16x16x512xf32>
    %mul3A_86 = vector.broadcast %broadcast_in_dim3A_84 : vector<1x16x512xf32> to vector<16x16x512xf32>
    %mul3A_87 = arith.mulf %mul3A_85, %mul3A_86 : vector<16x16x512xf32>
    %add3A_88 = arith.addf %add3A_80, %mul3A_87 : vector<16x16x512xf32>
    %slice3A_89 = vector.extract_strided_slice %add3A_46 {offsets = [64, 0], sizes = [16, 512], strides = [1, 1]} : vector<1024x512xf32> to vector<16x512xf32>
    %broadcast_in_dim3A_90 = vector.shape_cast %slice3A_89 : vector<16x512xf32> to vector<16x1x512xf32>
    %slice3A_91 = vector.extract_strided_slice %add3A_46 {offsets = [576, 0], sizes = [16, 512], strides = [1, 1]} : vector<1024x512xf32> to vector<16x512xf32>
    %broadcast_in_dim3A_92 = vector.shape_cast %slice3A_91 : vector<16x512xf32> to vector<1x16x512xf32>
    %mul3A_93 = vector.broadcast %broadcast_in_dim3A_90 : vector<16x1x512xf32> to vector<16x16x512xf32>
    %mul3A_94 = vector.broadcast %broadcast_in_dim3A_92 : vector<1x16x512xf32> to vector<16x16x512xf32>
    %mul3A_95 = arith.mulf %mul3A_93, %mul3A_94 : vector<16x16x512xf32>
    %add3A_96 = arith.addf %add3A_88, %mul3A_95 : vector<16x16x512xf32>
    %slice3A_97 = vector.extract_strided_slice %add3A_46 {offsets = [80, 0], sizes = [16, 512], strides = [1, 1]} : vector<1024x512xf32> to vector<16x512xf32>
    %broadcast_in_dim3A_98 = vector.shape_cast %slice3A_97 : vector<16x512xf32> to vector<16x1x512xf32>
    %slice3A_99 = vector.extract_strided_slice %add3A_46 {offsets = [592, 0], sizes = [16, 512], strides = [1, 1]} : vector<1024x512xf32> to vector<16x512xf32>
    %broadcast_in_dim3A_100 = vector.shape_cast %slice3A_99 : vector<16x512xf32> to vector<1x16x512xf32>
    %mul3A_101 = vector.broadcast %broadcast_in_dim3A_98 : vector<16x1x512xf32> to vector<16x16x512xf32>
    %mul3A_102 = vector.broadcast %broadcast_in_dim3A_100 : vector<1x16x512xf32> to vector<16x16x512xf32>
    %mul3A_103 = arith.mulf %mul3A_101, %mul3A_102 : vector<16x16x512xf32>
    %add3A_104 = arith.addf %add3A_96, %mul3A_103 : vector<16x16x512xf32>
    %slice3A_105 = vector.extract_strided_slice %add3A_46 {offsets = [96, 0], sizes = [16, 512], strides = [1, 1]} : vector<1024x512xf32> to vector<16x512xf32>
    %broadcast_in_dim3A_106 = vector.shape_cast %slice3A_105 : vector<16x512xf32> to vector<16x1x512xf32>
    %slice3A_107 = vector.extract_strided_slice %add3A_46 {offsets = [608, 0], sizes = [16, 512], strides = [1, 1]} : vector<1024x512xf32> to vector<16x512xf32>
    %broadcast_in_dim3A_108 = vector.shape_cast %slice3A_107 : vector<16x512xf32> to vector<1x16x512xf32>
    %mul3A_109 = vector.broadcast %broadcast_in_dim3A_106 : vector<16x1x512xf32> to vector<16x16x512xf32>
    %mul3A_110 = vector.broadcast %broadcast_in_dim3A_108 : vector<1x16x512xf32> to vector<16x16x512xf32>
    %mul3A_111 = arith.mulf %mul3A_109, %mul3A_110 : vector<16x16x512xf32>
    %add3A_112 = arith.addf %add3A_104, %mul3A_111 : vector<16x16x512xf32>
    %slice3A_113 = vector.extract_strided_slice %add3A_46 {offsets = [112, 0], sizes = [16, 512], strides = [1, 1]} : vector<1024x512xf32> to vector<16x512xf32>
    %broadcast_in_dim3A_114 = vector.shape_cast %slice3A_113 : vector<16x512xf32> to vector<16x1x512xf32>
    %slice3A_115 = vector.extract_strided_slice %add3A_46 {offsets = [624, 0], sizes = [16, 512], strides = [1, 1]} : vector<1024x512xf32> to vector<16x512xf32>
    %broadcast_in_dim3A_116 = vector.shape_cast %slice3A_115 : vector<16x512xf32> to vector<1x16x512xf32>
    %mul3A_117 = vector.broadcast %broadcast_in_dim3A_114 : vector<16x1x512xf32> to vector<16x16x512xf32>
    %mul3A_118 = vector.broadcast %broadcast_in_dim3A_116 : vector<1x16x512xf32> to vector<16x16x512xf32>
    %mul3A_119 = arith.mulf %mul3A_117, %mul3A_118 : vector<16x16x512xf32>
    %add3A_120 = arith.addf %add3A_112, %mul3A_119 : vector<16x16x512xf32>
    %slice3A_121 = vector.extract_strided_slice %add3A_46 {offsets = [128, 0], sizes = [16, 512], strides = [1, 1]} : vector<1024x512xf32> to vector<16x512xf32>
    %broadcast_in_dim3A_122 = vector.shape_cast %slice3A_121 : vector<16x512xf32> to vector<16x1x512xf32>
    %slice3A_123 = vector.extract_strided_slice %add3A_46 {offsets = [640, 0], sizes = [16, 512], strides = [1, 1]} : vector<1024x512xf32> to vector<16x512xf32>
    %broadcast_in_dim3A_124 = vector.shape_cast %slice3A_123 : vector<16x512xf32> to vector<1x16x512xf32>
    %mul3A_125 = vector.broadcast %broadcast_in_dim3A_122 : vector<16x1x512xf32> to vector<16x16x512xf32>
    %mul3A_126 = vector.broadcast %broadcast_in_dim3A_124 : vector<1x16x512xf32> to vector<16x16x512xf32>
    %mul3A_127 = arith.mulf %mul3A_125, %mul3A_126 : vector<16x16x512xf32>
    %add3A_128 = arith.addf %add3A_120, %mul3A_127 : vector<16x16x512xf32>
    %slice3A_129 = vector.extract_strided_slice %add3A_46 {offsets = [144, 0], sizes = [16, 512], strides = [1, 1]} : vector<1024x512xf32> to vector<16x512xf32>
    %broadcast_in_dim3A_130 = vector.shape_cast %slice3A_129 : vector<16x512xf32> to vector<16x1x512xf32>
    %slice3A_131 = vector.extract_strided_slice %add3A_46 {offsets = [656, 0], sizes = [16, 512], strides = [1, 1]} : vector<1024x512xf32> to vector<16x512xf32>
    %broadcast_in_dim3A_132 = vector.shape_cast %slice3A_131 : vector<16x512xf32> to vector<1x16x512xf32>
    %mul3A_133 = vector.broadcast %broadcast_in_dim3A_130 : vector<16x1x512xf32> to vector<16x16x512xf32>
    %mul3A_134 = vector.broadcast %broadcast_in_dim3A_132 : vector<1x16x512xf32> to vector<16x16x512xf32>
    %mul3A_135 = arith.mulf %mul3A_133, %mul3A_134 : vector<16x16x512xf32>
    %add3A_136 = arith.addf %add3A_128, %mul3A_135 : vector<16x16x512xf32>
    %slice3A_137 = vector.extract_strided_slice %add3A_46 {offsets = [160, 0], sizes = [16, 512], strides = [1, 1]} : vector<1024x512xf32> to vector<16x512xf32>
    %broadcast_in_dim3A_138 = vector.shape_cast %slice3A_137 : vector<16x512xf32> to vector<16x1x512xf32>
    %slice3A_139 = vector.extract_strided_slice %add3A_46 {offsets = [672, 0], sizes = [16, 512], strides = [1, 1]} : vector<1024x512xf32> to vector<16x512xf32>
    %broadcast_in_dim3A_140 = vector.shape_cast %slice3A_139 : vector<16x512xf32> to vector<1x16x512xf32>
    %mul3A_141 = vector.broadcast %broadcast_in_dim3A_138 : vector<16x1x512xf32> to vector<16x16x512xf32>
    %mul3A_142 = vector.broadcast %broadcast_in_dim3A_140 : vector<1x16x512xf32> to vector<16x16x512xf32>
    %mul3A_143 = arith.mulf %mul3A_141, %mul3A_142 : vector<16x16x512xf32>
    %add3A_144 = arith.addf %add3A_136, %mul3A_143 : vector<16x16x512xf32>
    %slice3A_145 = vector.extract_strided_slice %add3A_46 {offsets = [176, 0], sizes = [16, 512], strides = [1, 1]} : vector<1024x512xf32> to vector<16x512xf32>
    %broadcast_in_dim3A_146 = vector.shape_cast %slice3A_145 : vector<16x512xf32> to vector<16x1x512xf32>
    %slice3A_147 = vector.extract_strided_slice %add3A_46 {offsets = [688, 0], sizes = [16, 512], strides = [1, 1]} : vector<1024x512xf32> to vector<16x512xf32>
    %broadcast_in_dim3A_148 = vector.shape_cast %slice3A_147 : vector<16x512xf32> to vector<1x16x512xf32>
    %mul3A_149 = vector.broadcast %broadcast_in_dim3A_146 : vector<16x1x512xf32> to vector<16x16x512xf32>
    %mul3A_150 = vector.broadcast %broadcast_in_dim3A_148 : vector<1x16x512xf32> to vector<16x16x512xf32>
    %mul3A_151 = arith.mulf %mul3A_149, %mul3A_150 : vector<16x16x512xf32>
    %add3A_152 = arith.addf %add3A_144, %mul3A_151 : vector<16x16x512xf32>
    %slice3A_153 = vector.extract_strided_slice %add3A_46 {offsets = [192, 0], sizes = [16, 512], strides = [1, 1]} : vector<1024x512xf32> to vector<16x512xf32>
    %broadcast_in_dim3A_154 = vector.shape_cast %slice3A_153 : vector<16x512xf32> to vector<16x1x512xf32>
    %slice3A_155 = vector.extract_strided_slice %add3A_46 {offsets = [704, 0], sizes = [16, 512], strides = [1, 1]} : vector<1024x512xf32> to vector<16x512xf32>
    %broadcast_in_dim3A_156 = vector.shape_cast %slice3A_155 : vector<16x512xf32> to vector<1x16x512xf32>
    %mul3A_157 = vector.broadcast %broadcast_in_dim3A_154 : vector<16x1x512xf32> to vector<16x16x512xf32>
    %mul3A_158 = vector.broadcast %broadcast_in_dim3A_156 : vector<1x16x512xf32> to vector<16x16x512xf32>
    %mul3A_159 = arith.mulf %mul3A_157, %mul3A_158 : vector<16x16x512xf32>
    %add3A_160 = arith.addf %add3A_152, %mul3A_159 : vector<16x16x512xf32>
    %slice3A_161 = vector.extract_strided_slice %add3A_46 {offsets = [208, 0], sizes = [16, 512], strides = [1, 1]} : vector<1024x512xf32> to vector<16x512xf32>
    %broadcast_in_dim3A_162 = vector.shape_cast %slice3A_161 : vector<16x512xf32> to vector<16x1x512xf32>
    %slice3A_163 = vector.extract_strided_slice %add3A_46 {offsets = [720, 0], sizes = [16, 512], strides = [1, 1]} : vector<1024x512xf32> to vector<16x512xf32>
    %broadcast_in_dim3A_164 = vector.shape_cast %slice3A_163 : vector<16x512xf32> to vector<1x16x512xf32>
    %mul3A_165 = vector.broadcast %broadcast_in_dim3A_162 : vector<16x1x512xf32> to vector<16x16x512xf32>
    %mul3A_166 = vector.broadcast %broadcast_in_dim3A_164 : vector<1x16x512xf32> to vector<16x16x512xf32>
    %mul3A_167 = arith.mulf %mul3A_165, %mul3A_166 : vector<16x16x512xf32>
    %add3A_168 = arith.addf %add3A_160, %mul3A_167 : vector<16x16x512xf32>
    %slice3A_169 = vector.extract_strided_slice %add3A_46 {offsets = [224, 0], sizes = [16, 512], strides = [1, 1]} : vector<1024x512xf32> to vector<16x512xf32>
    %broadcast_in_dim3A_170 = vector.shape_cast %slice3A_169 : vector<16x512xf32> to vector<16x1x512xf32>
    %slice3A_171 = vector.extract_strided_slice %add3A_46 {offsets = [736, 0], sizes = [16, 512], strides = [1, 1]} : vector<1024x512xf32> to vector<16x512xf32>
    %broadcast_in_dim3A_172 = vector.shape_cast %slice3A_171 : vector<16x512xf32> to vector<1x16x512xf32>
    %mul3A_173 = vector.broadcast %broadcast_in_dim3A_170 : vector<16x1x512xf32> to vector<16x16x512xf32>
    %mul3A_174 = vector.broadcast %broadcast_in_dim3A_172 : vector<1x16x512xf32> to vector<16x16x512xf32>
    %mul3A_175 = arith.mulf %mul3A_173, %mul3A_174 : vector<16x16x512xf32>
    %add3A_176 = arith.addf %add3A_168, %mul3A_175 : vector<16x16x512xf32>
    %slice3A_177 = vector.extract_strided_slice %add3A_46 {offsets = [240, 0], sizes = [16, 512], strides = [1, 1]} : vector<1024x512xf32> to vector<16x512xf32>
    %broadcast_in_dim3A_178 = vector.shape_cast %slice3A_177 : vector<16x512xf32> to vector<16x1x512xf32>
    %slice3A_179 = vector.extract_strided_slice %add3A_46 {offsets = [752, 0], sizes = [16, 512], strides = [1, 1]} : vector<1024x512xf32> to vector<16x512xf32>
    %broadcast_in_dim3A_180 = vector.shape_cast %slice3A_179 : vector<16x512xf32> to vector<1x16x512xf32>
    %mul3A_181 = vector.broadcast %broadcast_in_dim3A_178 : vector<16x1x512xf32> to vector<16x16x512xf32>
    %mul3A_182 = vector.broadcast %broadcast_in_dim3A_180 : vector<1x16x512xf32> to vector<16x16x512xf32>
    %mul3A_183 = arith.mulf %mul3A_181, %mul3A_182 : vector<16x16x512xf32>
    %add3A_184 = arith.addf %add3A_176, %mul3A_183 : vector<16x16x512xf32>
    %slice3A_185 = vector.extract_strided_slice %add3A_46 {offsets = [256, 0], sizes = [16, 512], strides = [1, 1]} : vector<1024x512xf32> to vector<16x512xf32>
    %broadcast_in_dim3A_186 = vector.shape_cast %slice3A_185 : vector<16x512xf32> to vector<16x1x512xf32>
    %slice3A_187 = vector.extract_strided_slice %add3A_46 {offsets = [768, 0], sizes = [16, 512], strides = [1, 1]} : vector<1024x512xf32> to vector<16x512xf32>
    %broadcast_in_dim3A_188 = vector.shape_cast %slice3A_187 : vector<16x512xf32> to vector<1x16x512xf32>
    %mul3A_189 = vector.broadcast %broadcast_in_dim3A_186 : vector<16x1x512xf32> to vector<16x16x512xf32>
    %mul3A_190 = vector.broadcast %broadcast_in_dim3A_188 : vector<1x16x512xf32> to vector<16x16x512xf32>
    %mul3A_191 = arith.mulf %mul3A_189, %mul3A_190 : vector<16x16x512xf32>
    %add3A_192 = arith.addf %add3A_184, %mul3A_191 : vector<16x16x512xf32>
    %slice3A_193 = vector.extract_strided_slice %add3A_46 {offsets = [272, 0], sizes = [16, 512], strides = [1, 1]} : vector<1024x512xf32> to vector<16x512xf32>
    %broadcast_in_dim3A_194 = vector.shape_cast %slice3A_193 : vector<16x512xf32> to vector<16x1x512xf32>
    %slice3A_195 = vector.extract_strided_slice %add3A_46 {offsets = [784, 0], sizes = [16, 512], strides = [1, 1]} : vector<1024x512xf32> to vector<16x512xf32>
    %broadcast_in_dim3A_196 = vector.shape_cast %slice3A_195 : vector<16x512xf32> to vector<1x16x512xf32>
    %mul3A_197 = vector.broadcast %broadcast_in_dim3A_194 : vector<16x1x512xf32> to vector<16x16x512xf32>
    %mul3A_198 = vector.broadcast %broadcast_in_dim3A_196 : vector<1x16x512xf32> to vector<16x16x512xf32>
    %mul3A_199 = arith.mulf %mul3A_197, %mul3A_198 : vector<16x16x512xf32>
    %add3A_200 = arith.addf %add3A_192, %mul3A_199 : vector<16x16x512xf32>
    %slice3A_201 = vector.extract_strided_slice %add3A_46 {offsets = [288, 0], sizes = [16, 512], strides = [1, 1]} : vector<1024x512xf32> to vector<16x512xf32>
    %broadcast_in_dim3A_202 = vector.shape_cast %slice3A_201 : vector<16x512xf32> to vector<16x1x512xf32>
    %slice3A_203 = vector.extract_strided_slice %add3A_46 {offsets = [800, 0], sizes = [16, 512], strides = [1, 1]} : vector<1024x512xf32> to vector<16x512xf32>
    %broadcast_in_dim3A_204 = vector.shape_cast %slice3A_203 : vector<16x512xf32> to vector<1x16x512xf32>
    %mul3A_205 = vector.broadcast %broadcast_in_dim3A_202 : vector<16x1x512xf32> to vector<16x16x512xf32>
    %mul3A_206 = vector.broadcast %broadcast_in_dim3A_204 : vector<1x16x512xf32> to vector<16x16x512xf32>
    %mul3A_207 = arith.mulf %mul3A_205, %mul3A_206 : vector<16x16x512xf32>
    %add3A_208 = arith.addf %add3A_200, %mul3A_207 : vector<16x16x512xf32>
    %slice3A_209 = vector.extract_strided_slice %add3A_46 {offsets = [304, 0], sizes = [16, 512], strides = [1, 1]} : vector<1024x512xf32> to vector<16x512xf32>
    %broadcast_in_dim3A_210 = vector.shape_cast %slice3A_209 : vector<16x512xf32> to vector<16x1x512xf32>
    %slice3A_211 = vector.extract_strided_slice %add3A_46 {offsets = [816, 0], sizes = [16, 512], strides = [1, 1]} : vector<1024x512xf32> to vector<16x512xf32>
    %broadcast_in_dim3A_212 = vector.shape_cast %slice3A_211 : vector<16x512xf32> to vector<1x16x512xf32>
    %mul3A_213 = vector.broadcast %broadcast_in_dim3A_210 : vector<16x1x512xf32> to vector<16x16x512xf32>
    %mul3A_214 = vector.broadcast %broadcast_in_dim3A_212 : vector<1x16x512xf32> to vector<16x16x512xf32>
    %mul3A_215 = arith.mulf %mul3A_213, %mul3A_214 : vector<16x16x512xf32>
    %add3A_216 = arith.addf %add3A_208, %mul3A_215 : vector<16x16x512xf32>
    %slice3A_217 = vector.extract_strided_slice %add3A_46 {offsets = [320, 0], sizes = [16, 512], strides = [1, 1]} : vector<1024x512xf32> to vector<16x512xf32>
    %broadcast_in_dim3A_218 = vector.shape_cast %slice3A_217 : vector<16x512xf32> to vector<16x1x512xf32>
    %slice3A_219 = vector.extract_strided_slice %add3A_46 {offsets = [832, 0], sizes = [16, 512], strides = [1, 1]} : vector<1024x512xf32> to vector<16x512xf32>
    %broadcast_in_dim3A_220 = vector.shape_cast %slice3A_219 : vector<16x512xf32> to vector<1x16x512xf32>
    %mul3A_221 = vector.broadcast %broadcast_in_dim3A_218 : vector<16x1x512xf32> to vector<16x16x512xf32>
    %mul3A_222 = vector.broadcast %broadcast_in_dim3A_220 : vector<1x16x512xf32> to vector<16x16x512xf32>
    %mul3A_223 = arith.mulf %mul3A_221, %mul3A_222 : vector<16x16x512xf32>
    %add3A_224 = arith.addf %add3A_216, %mul3A_223 : vector<16x16x512xf32>
    %slice3A_225 = vector.extract_strided_slice %add3A_46 {offsets = [336, 0], sizes = [16, 512], strides = [1, 1]} : vector<1024x512xf32> to vector<16x512xf32>
    %broadcast_in_dim3A_226 = vector.shape_cast %slice3A_225 : vector<16x512xf32> to vector<16x1x512xf32>
    %slice3A_227 = vector.extract_strided_slice %add3A_46 {offsets = [848, 0], sizes = [16, 512], strides = [1, 1]} : vector<1024x512xf32> to vector<16x512xf32>
    %broadcast_in_dim3A_228 = vector.shape_cast %slice3A_227 : vector<16x512xf32> to vector<1x16x512xf32>
    %mul3A_229 = vector.broadcast %broadcast_in_dim3A_226 : vector<16x1x512xf32> to vector<16x16x512xf32>
    %mul3A_230 = vector.broadcast %broadcast_in_dim3A_228 : vector<1x16x512xf32> to vector<16x16x512xf32>
    %mul3A_231 = arith.mulf %mul3A_229, %mul3A_230 : vector<16x16x512xf32>
    %add3A_232 = arith.addf %add3A_224, %mul3A_231 : vector<16x16x512xf32>
    %slice3A_233 = vector.extract_strided_slice %add3A_46 {offsets = [352, 0], sizes = [16, 512], strides = [1, 1]} : vector<1024x512xf32> to vector<16x512xf32>
    %broadcast_in_dim3A_234 = vector.shape_cast %slice3A_233 : vector<16x512xf32> to vector<16x1x512xf32>
    %slice3A_235 = vector.extract_strided_slice %add3A_46 {offsets = [864, 0], sizes = [16, 512], strides = [1, 1]} : vector<1024x512xf32> to vector<16x512xf32>
    %broadcast_in_dim3A_236 = vector.shape_cast %slice3A_235 : vector<16x512xf32> to vector<1x16x512xf32>
    %mul3A_237 = vector.broadcast %broadcast_in_dim3A_234 : vector<16x1x512xf32> to vector<16x16x512xf32>
    %mul3A_238 = vector.broadcast %broadcast_in_dim3A_236 : vector<1x16x512xf32> to vector<16x16x512xf32>
    %mul3A_239 = arith.mulf %mul3A_237, %mul3A_238 : vector<16x16x512xf32>
    %add3A_240 = arith.addf %add3A_232, %mul3A_239 : vector<16x16x512xf32>
    %slice3A_241 = vector.extract_strided_slice %add3A_46 {offsets = [368, 0], sizes = [16, 512], strides = [1, 1]} : vector<1024x512xf32> to vector<16x512xf32>
    %broadcast_in_dim3A_242 = vector.shape_cast %slice3A_241 : vector<16x512xf32> to vector<16x1x512xf32>
    %slice3A_243 = vector.extract_strided_slice %add3A_46 {offsets = [880, 0], sizes = [16, 512], strides = [1, 1]} : vector<1024x512xf32> to vector<16x512xf32>
    %broadcast_in_dim3A_244 = vector.shape_cast %slice3A_243 : vector<16x512xf32> to vector<1x16x512xf32>
    %mul3A_245 = vector.broadcast %broadcast_in_dim3A_242 : vector<16x1x512xf32> to vector<16x16x512xf32>
    %mul3A_246 = vector.broadcast %broadcast_in_dim3A_244 : vector<1x16x512xf32> to vector<16x16x512xf32>
    %mul3A_247 = arith.mulf %mul3A_245, %mul3A_246 : vector<16x16x512xf32>
    %add3A_248 = arith.addf %add3A_240, %mul3A_247 : vector<16x16x512xf32>
    %slice3A_249 = vector.extract_strided_slice %add3A_46 {offsets = [384, 0], sizes = [16, 512], strides = [1, 1]} : vector<1024x512xf32> to vector<16x512xf32>
    %broadcast_in_dim3A_250 = vector.shape_cast %slice3A_249 : vector<16x512xf32> to vector<16x1x512xf32>
    %slice3A_251 = vector.extract_strided_slice %add3A_46 {offsets = [896, 0], sizes = [16, 512], strides = [1, 1]} : vector<1024x512xf32> to vector<16x512xf32>
    %broadcast_in_dim3A_252 = vector.shape_cast %slice3A_251 : vector<16x512xf32> to vector<1x16x512xf32>
    %mul3A_253 = vector.broadcast %broadcast_in_dim3A_250 : vector<16x1x512xf32> to vector<16x16x512xf32>
    %mul3A_254 = vector.broadcast %broadcast_in_dim3A_252 : vector<1x16x512xf32> to vector<16x16x512xf32>
    %mul3A_255 = arith.mulf %mul3A_253, %mul3A_254 : vector<16x16x512xf32>
    %add3A_256 = arith.addf %add3A_248, %mul3A_255 : vector<16x16x512xf32>
    %slice3A_257 = vector.extract_strided_slice %add3A_46 {offsets = [400, 0], sizes = [16, 512], strides = [1, 1]} : vector<1024x512xf32> to vector<16x512xf32>
    %broadcast_in_dim3A_258 = vector.shape_cast %slice3A_257 : vector<16x512xf32> to vector<16x1x512xf32>
    %slice3A_259 = vector.extract_strided_slice %add3A_46 {offsets = [912, 0], sizes = [16, 512], strides = [1, 1]} : vector<1024x512xf32> to vector<16x512xf32>
    %broadcast_in_dim3A_260 = vector.shape_cast %slice3A_259 : vector<16x512xf32> to vector<1x16x512xf32>
    %mul3A_261 = vector.broadcast %broadcast_in_dim3A_258 : vector<16x1x512xf32> to vector<16x16x512xf32>
    %mul3A_262 = vector.broadcast %broadcast_in_dim3A_260 : vector<1x16x512xf32> to vector<16x16x512xf32>
    %mul3A_263 = arith.mulf %mul3A_261, %mul3A_262 : vector<16x16x512xf32>
    %add3A_264 = arith.addf %add3A_256, %mul3A_263 : vector<16x16x512xf32>
    %slice3A_265 = vector.extract_strided_slice %add3A_46 {offsets = [416, 0], sizes = [16, 512], strides = [1, 1]} : vector<1024x512xf32> to vector<16x512xf32>
    %broadcast_in_dim3A_266 = vector.shape_cast %slice3A_265 : vector<16x512xf32> to vector<16x1x512xf32>
    %slice3A_267 = vector.extract_strided_slice %add3A_46 {offsets = [928, 0], sizes = [16, 512], strides = [1, 1]} : vector<1024x512xf32> to vector<16x512xf32>
    %broadcast_in_dim3A_268 = vector.shape_cast %slice3A_267 : vector<16x512xf32> to vector<1x16x512xf32>
    %mul3A_269 = vector.broadcast %broadcast_in_dim3A_266 : vector<16x1x512xf32> to vector<16x16x512xf32>
    %mul3A_270 = vector.broadcast %broadcast_in_dim3A_268 : vector<1x16x512xf32> to vector<16x16x512xf32>
    %mul3A_271 = arith.mulf %mul3A_269, %mul3A_270 : vector<16x16x512xf32>
    %add3A_272 = arith.addf %add3A_264, %mul3A_271 : vector<16x16x512xf32>
    %slice3A_273 = vector.extract_strided_slice %add3A_46 {offsets = [432, 0], sizes = [16, 512], strides = [1, 1]} : vector<1024x512xf32> to vector<16x512xf32>
    %broadcast_in_dim3A_274 = vector.shape_cast %slice3A_273 : vector<16x512xf32> to vector<16x1x512xf32>
    %slice3A_275 = vector.extract_strided_slice %add3A_46 {offsets = [944, 0], sizes = [16, 512], strides = [1, 1]} : vector<1024x512xf32> to vector<16x512xf32>
    %broadcast_in_dim3A_276 = vector.shape_cast %slice3A_275 : vector<16x512xf32> to vector<1x16x512xf32>
    %mul3A_277 = vector.broadcast %broadcast_in_dim3A_274 : vector<16x1x512xf32> to vector<16x16x512xf32>
    %mul3A_278 = vector.broadcast %broadcast_in_dim3A_276 : vector<1x16x512xf32> to vector<16x16x512xf32>
    %mul3A_279 = arith.mulf %mul3A_277, %mul3A_278 : vector<16x16x512xf32>
    %add3A_280 = arith.addf %add3A_272, %mul3A_279 : vector<16x16x512xf32>
    %slice3A_281 = vector.extract_strided_slice %add3A_46 {offsets = [448, 0], sizes = [16, 512], strides = [1, 1]} : vector<1024x512xf32> to vector<16x512xf32>
    %broadcast_in_dim3A_282 = vector.shape_cast %slice3A_281 : vector<16x512xf32> to vector<16x1x512xf32>
    %slice3A_283 = vector.extract_strided_slice %add3A_46 {offsets = [960, 0], sizes = [16, 512], strides = [1, 1]} : vector<1024x512xf32> to vector<16x512xf32>
    %broadcast_in_dim3A_284 = vector.shape_cast %slice3A_283 : vector<16x512xf32> to vector<1x16x512xf32>
    %mul3A_285 = vector.broadcast %broadcast_in_dim3A_282 : vector<16x1x512xf32> to vector<16x16x512xf32>
    %mul3A_286 = vector.broadcast %broadcast_in_dim3A_284 : vector<1x16x512xf32> to vector<16x16x512xf32>
    %mul3A_287 = arith.mulf %mul3A_285, %mul3A_286 : vector<16x16x512xf32>
    %add3A_288 = arith.addf %add3A_280, %mul3A_287 : vector<16x16x512xf32>
    %slice3A_289 = vector.extract_strided_slice %add3A_46 {offsets = [464, 0], sizes = [16, 512], strides = [1, 1]} : vector<1024x512xf32> to vector<16x512xf32>
    %broadcast_in_dim3A_290 = vector.shape_cast %slice3A_289 : vector<16x512xf32> to vector<16x1x512xf32>
    %slice3A_291 = vector.extract_strided_slice %add3A_46 {offsets = [976, 0], sizes = [16, 512], strides = [1, 1]} : vector<1024x512xf32> to vector<16x512xf32>
    %broadcast_in_dim3A_292 = vector.shape_cast %slice3A_291 : vector<16x512xf32> to vector<1x16x512xf32>
    %mul3A_293 = vector.broadcast %broadcast_in_dim3A_290 : vector<16x1x512xf32> to vector<16x16x512xf32>
    %mul3A_294 = vector.broadcast %broadcast_in_dim3A_292 : vector<1x16x512xf32> to vector<16x16x512xf32>
    %mul3A_295 = arith.mulf %mul3A_293, %mul3A_294 : vector<16x16x512xf32>
    %add3A_296 = arith.addf %add3A_288, %mul3A_295 : vector<16x16x512xf32>
    %slice3A_297 = vector.extract_strided_slice %add3A_46 {offsets = [480, 0], sizes = [16, 512], strides = [1, 1]} : vector<1024x512xf32> to vector<16x512xf32>
    %broadcast_in_dim3A_298 = vector.shape_cast %slice3A_297 : vector<16x512xf32> to vector<16x1x512xf32>
    %slice3A_299 = vector.extract_strided_slice %add3A_46 {offsets = [992, 0], sizes = [16, 512], strides = [1, 1]} : vector<1024x512xf32> to vector<16x512xf32>
    %broadcast_in_dim3A_300 = vector.shape_cast %slice3A_299 : vector<16x512xf32> to vector<1x16x512xf32>
    %mul3A_301 = vector.broadcast %broadcast_in_dim3A_298 : vector<16x1x512xf32> to vector<16x16x512xf32>
    %mul3A_302 = vector.broadcast %broadcast_in_dim3A_300 : vector<1x16x512xf32> to vector<16x16x512xf32>
    %mul3A_303 = arith.mulf %mul3A_301, %mul3A_302 : vector<16x16x512xf32>
    %add3A_304 = arith.addf %add3A_296, %mul3A_303 : vector<16x16x512xf32>
    %slice3A_305 = vector.extract_strided_slice %add3A_46 {offsets = [496, 0], sizes = [16, 512], strides = [1, 1]} : vector<1024x512xf32> to vector<16x512xf32>
    %broadcast_in_dim3A_306 = vector.shape_cast %slice3A_305 : vector<16x512xf32> to vector<16x1x512xf32>
    %slice3A_307 = vector.extract_strided_slice %add3A_46 {offsets = [1008, 0], sizes = [16, 512], strides = [1, 1]} : vector<1024x512xf32> to vector<16x512xf32>
    %broadcast_in_dim3A_308 = vector.shape_cast %slice3A_307 : vector<16x512xf32> to vector<1x16x512xf32>
    %mul3A_309 = vector.broadcast %broadcast_in_dim3A_306 : vector<16x1x512xf32> to vector<16x16x512xf32>
    %mul3A_310 = vector.broadcast %broadcast_in_dim3A_308 : vector<1x16x512xf32> to vector<16x16x512xf32>
    %mul3A_311 = arith.mulf %mul3A_309, %mul3A_310 : vector<16x16x512xf32>
    %add3A_312 = arith.addf %add3A_304, %mul3A_311 : vector<16x16x512xf32>
    %reduce_max3A = arith.constant dense<0xFF800000> : vector<16x512xf32>
    %reduce_max3A_313 = vector.multi_reduction <maximumf>, %add3A_312, %reduce_max3A [1] : vector<16x16x512xf32> to vector<16x512xf32>
    %broadcast_in_dim3A_314 = vector.shape_cast %reduce_max3A_313 : vector<16x512xf32> to vector<16x1x512xf32>
    %sub3A_315 = vector.broadcast %broadcast_in_dim3A_314 : vector<16x1x512xf32> to vector<16x16x512xf32>
    %sub3A_316 = arith.subf %add3A_312, %sub3A_315 : vector<16x16x512xf32>
    %exp3A = math.exp %sub3A_316 : vector<16x16x512xf32>
    %reduce_sum3A = arith.constant dense<0.000000e+00> : vector<16x512xf32>
    %reduce_sum3A_317 = vector.multi_reduction <add>, %exp3A, %reduce_sum3A [1] : vector<16x16x512xf32> to vector<16x512xf32>
    %slice3A_318 = vector.extract_strided_slice %exp3A {offsets = [0, 0, 0], sizes = [16, 1, 512], strides = [1, 1, 1]} : vector<16x16x512xf32> to vector<16x1x512xf32>
    %squeeze3A = vector.shape_cast %slice3A_318 : vector<16x1x512xf32> to vector<16x512xf32>
    %div3A = arith.divf %squeeze3A, %reduce_sum3A_317 : vector<16x512xf32>
    %concatenate3A_319 = tpu.concatenate %div3A, %div3A, %div3A, %div3A, %div3A, %div3A, %div3A, %div3A, %div3A, %div3A, %div3A, %div3A, %div3A, %div3A, %div3A, %div3A, %div3A, %div3A, %div3A, %div3A, %div3A, %div3A, %div3A, %div3A, %div3A, %div3A, %div3A, %div3A, %div3A, %div3A, %div3A, %div3A in 0 : vector<16x512xf32>, vector<16x512xf32>, vector<16x512xf32>, vector<16x512xf32>, vector<16x512xf32>, vector<16x512xf32>, vector<16x512xf32>, vector<16x512xf32>, vector<16x512xf32>, vector<16x512xf32>, vector<16x512xf32>, vector<16x512xf32>, vector<16x512xf32>, vector<16x512xf32>, vector<16x512xf32>, vector<16x512xf32>, vector<16x512xf32>, vector<16x512xf32>, vector<16x512xf32>, vector<16x512xf32>, vector<16x512xf32>, vector<16x512xf32>, vector<16x512xf32>, vector<16x512xf32>, vector<16x512xf32>, vector<16x512xf32>, vector<16x512xf32>, vector<16x512xf32>, vector<16x512xf32>, vector<16x512xf32>, vector<16x512xf32>, vector<16x512xf32> -> vector<512x512xf32>
    %mul3A_320 = arith.mulf %add3A_58, %concatenate3A_319 : vector<512x512xf32>
    %reshape3A = vector.shape_cast %mul3A_320 : vector<512x512xf32> to vector<32x16x512xf32>
    %reduce_sum3A_321 = arith.constant dense<0.000000e+00> : vector<32x512xf32>
    %reduce_sum3A_322 = vector.multi_reduction <add>, %reshape3A, %reduce_sum3A_321 [1] : vector<32x16x512xf32> to vector<32x512xf32>
    %slice3A_323 = vector.extract_strided_slice %get3A_4 {offsets = [0, 0], sizes = [4, 512], strides = [1, 1]} : vector<8x512xf32> to vector<4x512xf32>
    %concatenate3A_324 = tpu.concatenate %slice3A_323, %reduce_sum3A_322 in 0 : vector<4x512xf32>, vector<32x512xf32> -> vector<36x512xf32>
    %swap3A = arith.constant 0 : index
    %swap3A_325 = arith.constant 0 : index
    %swap3A_326 = arith.constant 0 : index
    %swap3A_327 = arith.constant 0 : index
    %swap3A_328 = vector.load %arg8[%swap3A, %swap3A_325, %swap3A_326, %swap3A_327] : memref<1x1x36x512xf32, #tpu.memory_space<vmem>>, vector<1x1x36x512xf32>
    %swap3A_329 = vector.shape_cast %swap3A_328 : vector<1x1x36x512xf32> to vector<36x512xf32>
    %swap3A_330 = vector.shape_cast %concatenate3A_324 : vector<36x512xf32> to vector<1x1x36x512xf32>
    tpu.vector_store %arg8[%swap3A, %swap3A_325, %swap3A_326, %swap3A_327], %swap3A_330 {strides = array<i32>} : memref<1x1x36x512xf32, #tpu.memory_space<vmem>>, vector<1x1x36x512xf32>,
    %get3A_331 = arith.constant 1 : index
    %get3A_332 = arith.constant 0 : index
    %get3A_333 = arith.constant 0 : index
    %get3A_334 = vector.load %arg4[%get3A_331, %get3A_332, %get3A_333] : memref<2x1024x192xf32, #tpu.memory_space<vmem>>, vector<1x1024x192xf32>
    %get3A_335 = vector.shape_cast %get3A_334 : vector<1x1024x192xf32> to vector<1024x192xf32>
    %dot_general3A_336 = arith.constant dense<0.000000e+00> : vector<1024x512xf32>
    %dot_general3A_337 = tpu.matmul %get3A_335, %concatenate3A_36, %dot_general3A_336 {dimension_numbers = #tpu.dot_dimension_numbers<[1], [0], [0], [1], [0, 0, 1, 1], [], []>, transpose_lhs_hint = false} : vector<1024x192xf32>, vector<192x512xf32>, vector<1024x512xf32> -> vector<1024x512xf32>
    %get3A_338 = arith.constant 0 : index
    %get3A_339 = arith.constant 1 : index
    %get3A_340 = vector.load %arg5[%get3A_338, %get3A_339] : memref<1024x2xf32, #tpu.memory_space<vmem>>, vector<1024x1xf32>
    %add3A_341 = vector.broadcast %get3A_340 : vector<1024x1xf32> to vector<1024x512xf32>
    %add3A_342 = arith.addf %dot_general3A_337, %add3A_341 : vector<1024x512xf32>
    %get3A_343 = arith.constant 1 : index
    %get3A_344 = arith.constant 0 : index
    %get3A_345 = arith.constant 0 : index
    %get3A_346 = vector.load %arg6[%get3A_343, %get3A_344, %get3A_345] : memref<2x512x192xf32, #tpu.memory_space<vmem>>, vector<1x512x192xf32>
    %get3A_347 = vector.shape_cast %get3A_346 : vector<1x512x192xf32> to vector<512x192xf32>
    %dot_general3A_348 = arith.constant dense<0.000000e+00> : vector<512x512xf32>
    %dot_general3A_349 = tpu.matmul %get3A_347, %concatenate3A_36, %dot_general3A_348 {dimension_numbers = #tpu.dot_dimension_numbers<[1], [0], [0], [1], [0, 0, 1, 1], [], []>, transpose_lhs_hint = false} : vector<512x192xf32>, vector<192x512xf32>, vector<512x512xf32> -> vector<512x512xf32>
    %get3A_350 = arith.constant 0 : index
    %get3A_351 = arith.constant 1 : index
    %get3A_352 = vector.load %arg7[%get3A_350, %get3A_351] : memref<512x2xf32, #tpu.memory_space<vmem>>, vector<512x1xf32>
    %add3A_353 = vector.broadcast %get3A_352 : vector<512x1xf32> to vector<512x512xf32>
    %add3A_354 = arith.addf %dot_general3A_349, %add3A_353 : vector<512x512xf32>
    %slice3A_355 = vector.extract_strided_slice %add3A_342 {offsets = [0, 0], sizes = [16, 512], strides = [1, 1]} : vector<1024x512xf32> to vector<16x512xf32>
    %broadcast_in_dim3A_356 = vector.shape_cast %slice3A_355 : vector<16x512xf32> to vector<16x1x512xf32>
    %slice3A_357 = vector.extract_strided_slice %add3A_342 {offsets = [512, 0], sizes = [16, 512], strides = [1, 1]} : vector<1024x512xf32> to vector<16x512xf32>
    %broadcast_in_dim3A_358 = vector.shape_cast %slice3A_357 : vector<16x512xf32> to vector<1x16x512xf32>
    %mul3A_359 = vector.broadcast %broadcast_in_dim3A_356 : vector<16x1x512xf32> to vector<16x16x512xf32>
    %mul3A_360 = vector.broadcast %broadcast_in_dim3A_358 : vector<1x16x512xf32> to vector<16x16x512xf32>
    %mul3A_361 = arith.mulf %mul3A_359, %mul3A_360 : vector<16x16x512xf32>
    %slice3A_362 = vector.extract_strided_slice %add3A_342 {offsets = [16, 0], sizes = [16, 512], strides = [1, 1]} : vector<1024x512xf32> to vector<16x512xf32>
    %broadcast_in_dim3A_363 = vector.shape_cast %slice3A_362 : vector<16x512xf32> to vector<16x1x512xf32>
    %slice3A_364 = vector.extract_strided_slice %add3A_342 {offsets = [528, 0], sizes = [16, 512], strides = [1, 1]} : vector<1024x512xf32> to vector<16x512xf32>
    %broadcast_in_dim3A_365 = vector.shape_cast %slice3A_364 : vector<16x512xf32> to vector<1x16x512xf32>
    %mul3A_366 = vector.broadcast %broadcast_in_dim3A_363 : vector<16x1x512xf32> to vector<16x16x512xf32>
    %mul3A_367 = vector.broadcast %broadcast_in_dim3A_365 : vector<1x16x512xf32> to vector<16x16x512xf32>
    %mul3A_368 = arith.mulf %mul3A_366, %mul3A_367 : vector<16x16x512xf32>
    %add3A_369 = arith.addf %mul3A_361, %mul3A_368 : vector<16x16x512xf32>
    %slice3A_370 = vector.extract_strided_slice %add3A_342 {offsets = [32, 0], sizes = [16, 512], strides = [1, 1]} : vector<1024x512xf32> to vector<16x512xf32>
    %broadcast_in_dim3A_371 = vector.shape_cast %slice3A_370 : vector<16x512xf32> to vector<16x1x512xf32>
    %slice3A_372 = vector.extract_strided_slice %add3A_342 {offsets = [544, 0], sizes = [16, 512], strides = [1, 1]} : vector<1024x512xf32> to vector<16x512xf32>
    %broadcast_in_dim3A_373 = vector.shape_cast %slice3A_372 : vector<16x512xf32> to vector<1x16x512xf32>
    %mul3A_374 = vector.broadcast %broadcast_in_dim3A_371 : vector<16x1x512xf32> to vector<16x16x512xf32>
    %mul3A_375 = vector.broadcast %broadcast_in_dim3A_373 : vector<1x16x512xf32> to vector<16x16x512xf32>
    %mul3A_376 = arith.mulf %mul3A_374, %mul3A_375 : vector<16x16x512xf32>
    %add3A_377 = arith.addf %add3A_369, %mul3A_376 : vector<16x16x512xf32>
    %slice3A_378 = vector.extract_strided_slice %add3A_342 {offsets = [48, 0], sizes = [16, 512], strides = [1, 1]} : vector<1024x512xf32> to vector<16x512xf32>
    %broadcast_in_dim3A_379 = vector.shape_cast %slice3A_378 : vector<16x512xf32> to vector<16x1x512xf32>
    %slice3A_380 = vector.extract_strided_slice %add3A_342 {offsets = [560, 0], sizes = [16, 512], strides = [1, 1]} : vector<1024x512xf32> to vector<16x512xf32>
    %broadcast_in_dim3A_381 = vector.shape_cast %slice3A_380 : vector<16x512xf32> to vector<1x16x512xf32>
    %mul3A_382 = vector.broadcast %broadcast_in_dim3A_379 : vector<16x1x512xf32> to vector<16x16x512xf32>
    %mul3A_383 = vector.broadcast %broadcast_in_dim3A_381 : vector<1x16x512xf32> to vector<16x16x512xf32>
    %mul3A_384 = arith.mulf %mul3A_382, %mul3A_383 : vector<16x16x512xf32>
    %add3A_385 = arith.addf %add3A_377, %mul3A_384 : vector<16x16x512xf32>
    %slice3A_386 = vector.extract_strided_slice %add3A_342 {offsets = [64, 0], sizes = [16, 512], strides = [1, 1]} : vector<1024x512xf32> to vector<16x512xf32>
    %broadcast_in_dim3A_387 = vector.shape_cast %slice3A_386 : vector<16x512xf32> to vector<16x1x512xf32>
    %slice3A_388 = vector.extract_strided_slice %add3A_342 {offsets = [576, 0], sizes = [16, 512], strides = [1, 1]} : vector<1024x512xf32> to vector<16x512xf32>
    %broadcast_in_dim3A_389 = vector.shape_cast %slice3A_388 : vector<16x512xf32> to vector<1x16x512xf32>
    %mul3A_390 = vector.broadcast %broadcast_in_dim3A_387 : vector<16x1x512xf32> to vector<16x16x512xf32>
    %mul3A_391 = vector.broadcast %broadcast_in_dim3A_389 : vector<1x16x512xf32> to vector<16x16x512xf32>
    %mul3A_392 = arith.mulf %mul3A_390, %mul3A_391 : vector<16x16x512xf32>
    %add3A_393 = arith.addf %add3A_385, %mul3A_392 : vector<16x16x512xf32>
    %slice3A_394 = vector.extract_strided_slice %add3A_342 {offsets = [80, 0], sizes = [16, 512], strides = [1, 1]} : vector<1024x512xf32> to vector<16x512xf32>
    %broadcast_in_dim3A_395 = vector.shape_cast %slice3A_394 : vector<16x512xf32> to vector<16x1x512xf32>
    %slice3A_396 = vector.extract_strided_slice %add3A_342 {offsets = [592, 0], sizes = [16, 512], strides = [1, 1]} : vector<1024x512xf32> to vector<16x512xf32>
    %broadcast_in_dim3A_397 = vector.shape_cast %slice3A_396 : vector<16x512xf32> to vector<1x16x512xf32>
    %mul3A_398 = vector.broadcast %broadcast_in_dim3A_395 : vector<16x1x512xf32> to vector<16x16x512xf32>
    %mul3A_399 = vector.broadcast %broadcast_in_dim3A_397 : vector<1x16x512xf32> to vector<16x16x512xf32>
    %mul3A_400 = arith.mulf %mul3A_398, %mul3A_399 : vector<16x16x512xf32>
    %add3A_401 = arith.addf %add3A_393, %mul3A_400 : vector<16x16x512xf32>
    %slice3A_402 = vector.extract_strided_slice %add3A_342 {offsets = [96, 0], sizes = [16, 512], strides = [1, 1]} : vector<1024x512xf32> to vector<16x512xf32>
    %broadcast_in_dim3A_403 = vector.shape_cast %slice3A_402 : vector<16x512xf32> to vector<16x1x512xf32>
    %slice3A_404 = vector.extract_strided_slice %add3A_342 {offsets = [608, 0], sizes = [16, 512], strides = [1, 1]} : vector<1024x512xf32> to vector<16x512xf32>
    %broadcast_in_dim3A_405 = vector.shape_cast %slice3A_404 : vector<16x512xf32> to vector<1x16x512xf32>
    %mul3A_406 = vector.broadcast %broadcast_in_dim3A_403 : vector<16x1x512xf32> to vector<16x16x512xf32>
    %mul3A_407 = vector.broadcast %broadcast_in_dim3A_405 : vector<1x16x512xf32> to vector<16x16x512xf32>
    %mul3A_408 = arith.mulf %mul3A_406, %mul3A_407 : vector<16x16x512xf32>
    %add3A_409 = arith.addf %add3A_401, %mul3A_408 : vector<16x16x512xf32>
    %slice3A_410 = vector.extract_strided_slice %add3A_342 {offsets = [112, 0], sizes = [16, 512], strides = [1, 1]} : vector<1024x512xf32> to vector<16x512xf32>
    %broadcast_in_dim3A_411 = vector.shape_cast %slice3A_410 : vector<16x512xf32> to vector<16x1x512xf32>
    %slice3A_412 = vector.extract_strided_slice %add3A_342 {offsets = [624, 0], sizes = [16, 512], strides = [1, 1]} : vector<1024x512xf32> to vector<16x512xf32>
    %broadcast_in_dim3A_413 = vector.shape_cast %slice3A_412 : vector<16x512xf32> to vector<1x16x512xf32>
    %mul3A_414 = vector.broadcast %broadcast_in_dim3A_411 : vector<16x1x512xf32> to vector<16x16x512xf32>
    %mul3A_415 = vector.broadcast %broadcast_in_dim3A_413 : vector<1x16x512xf32> to vector<16x16x512xf32>
    %mul3A_416 = arith.mulf %mul3A_414, %mul3A_415 : vector<16x16x512xf32>
    %add3A_417 = arith.addf %add3A_409, %mul3A_416 : vector<16x16x512xf32>
    %slice3A_418 = vector.extract_strided_slice %add3A_342 {offsets = [128, 0], sizes = [16, 512], strides = [1, 1]} : vector<1024x512xf32> to vector<16x512xf32>
    %broadcast_in_dim3A_419 = vector.shape_cast %slice3A_418 : vector<16x512xf32> to vector<16x1x512xf32>
    %slice3A_420 = vector.extract_strided_slice %add3A_342 {offsets = [640, 0], sizes = [16, 512], strides = [1, 1]} : vector<1024x512xf32> to vector<16x512xf32>
    %broadcast_in_dim3A_421 = vector.shape_cast %slice3A_420 : vector<16x512xf32> to vector<1x16x512xf32>
    %mul3A_422 = vector.broadcast %broadcast_in_dim3A_419 : vector<16x1x512xf32> to vector<16x16x512xf32>
    %mul3A_423 = vector.broadcast %broadcast_in_dim3A_421 : vector<1x16x512xf32> to vector<16x16x512xf32>
    %mul3A_424 = arith.mulf %mul3A_422, %mul3A_423 : vector<16x16x512xf32>
    %add3A_425 = arith.addf %add3A_417, %mul3A_424 : vector<16x16x512xf32>
    %slice3A_426 = vector.extract_strided_slice %add3A_342 {offsets = [144, 0], sizes = [16, 512], strides = [1, 1]} : vector<1024x512xf32> to vector<16x512xf32>
    %broadcast_in_dim3A_427 = vector.shape_cast %slice3A_426 : vector<16x512xf32> to vector<16x1x512xf32>
    %slice3A_428 = vector.extract_strided_slice %add3A_342 {offsets = [656, 0], sizes = [16, 512], strides = [1, 1]} : vector<1024x512xf32> to vector<16x512xf32>
    %broadcast_in_dim3A_429 = vector.shape_cast %slice3A_428 : vector<16x512xf32> to vector<1x16x512xf32>
    %mul3A_430 = vector.broadcast %broadcast_in_dim3A_427 : vector<16x1x512xf32> to vector<16x16x512xf32>
    %mul3A_431 = vector.broadcast %broadcast_in_dim3A_429 : vector<1x16x512xf32> to vector<16x16x512xf32>
    %mul3A_432 = arith.mulf %mul3A_430, %mul3A_431 : vector<16x16x512xf32>
    %add3A_433 = arith.addf %add3A_425, %mul3A_432 : vector<16x16x512xf32>
    %slice3A_434 = vector.extract_strided_slice %add3A_342 {offsets = [160, 0], sizes = [16, 512], strides = [1, 1]} : vector<1024x512xf32> to vector<16x512xf32>
    %broadcast_in_dim3A_435 = vector.shape_cast %slice3A_434 : vector<16x512xf32> to vector<16x1x512xf32>
    %slice3A_436 = vector.extract_strided_slice %add3A_342 {offsets = [672, 0], sizes = [16, 512], strides = [1, 1]} : vector<1024x512xf32> to vector<16x512xf32>
    %broadcast_in_dim3A_437 = vector.shape_cast %slice3A_436 : vector<16x512xf32> to vector<1x16x512xf32>
    %mul3A_438 = vector.broadcast %broadcast_in_dim3A_435 : vector<16x1x512xf32> to vector<16x16x512xf32>
    %mul3A_439 = vector.broadcast %broadcast_in_dim3A_437 : vector<1x16x512xf32> to vector<16x16x512xf32>
    %mul3A_440 = arith.mulf %mul3A_438, %mul3A_439 : vector<16x16x512xf32>
    %add3A_441 = arith.addf %add3A_433, %mul3A_440 : vector<16x16x512xf32>
    %slice3A_442 = vector.extract_strided_slice %add3A_342 {offsets = [176, 0], sizes = [16, 512], strides = [1, 1]} : vector<1024x512xf32> to vector<16x512xf32>
    %broadcast_in_dim3A_443 = vector.shape_cast %slice3A_442 : vector<16x512xf32> to vector<16x1x512xf32>
    %slice3A_444 = vector.extract_strided_slice %add3A_342 {offsets = [688, 0], sizes = [16, 512], strides = [1, 1]} : vector<1024x512xf32> to vector<16x512xf32>
    %broadcast_in_dim3A_445 = vector.shape_cast %slice3A_444 : vector<16x512xf32> to vector<1x16x512xf32>
    %mul3A_446 = vector.broadcast %broadcast_in_dim3A_443 : vector<16x1x512xf32> to vector<16x16x512xf32>
    %mul3A_447 = vector.broadcast %broadcast_in_dim3A_445 : vector<1x16x512xf32> to vector<16x16x512xf32>
    %mul3A_448 = arith.mulf %mul3A_446, %mul3A_447 : vector<16x16x512xf32>
    %add3A_449 = arith.addf %add3A_441, %mul3A_448 : vector<16x16x512xf32>
    %slice3A_450 = vector.extract_strided_slice %add3A_342 {offsets = [192, 0], sizes = [16, 512], strides = [1, 1]} : vector<1024x512xf32> to vector<16x512xf32>
    %broadcast_in_dim3A_451 = vector.shape_cast %slice3A_450 : vector<16x512xf32> to vector<16x1x512xf32>
    %slice3A_452 = vector.extract_strided_slice %add3A_342 {offsets = [704, 0], sizes = [16, 512], strides = [1, 1]} : vector<1024x512xf32> to vector<16x512xf32>
    %broadcast_in_dim3A_453 = vector.shape_cast %slice3A_452 : vector<16x512xf32> to vector<1x16x512xf32>
    %mul3A_454 = vector.broadcast %broadcast_in_dim3A_451 : vector<16x1x512xf32> to vector<16x16x512xf32>
    %mul3A_455 = vector.broadcast %broadcast_in_dim3A_453 : vector<1x16x512xf32> to vector<16x16x512xf32>
    %mul3A_456 = arith.mulf %mul3A_454, %mul3A_455 : vector<16x16x512xf32>
    %add3A_457 = arith.addf %add3A_449, %mul3A_456 : vector<16x16x512xf32>
    %slice3A_458 = vector.extract_strided_slice %add3A_342 {offsets = [208, 0], sizes = [16, 512], strides = [1, 1]} : vector<1024x512xf32> to vector<16x512xf32>
    %broadcast_in_dim3A_459 = vector.shape_cast %slice3A_458 : vector<16x512xf32> to vector<16x1x512xf32>
    %slice3A_460 = vector.extract_strided_slice %add3A_342 {offsets = [720, 0], sizes = [16, 512], strides = [1, 1]} : vector<1024x512xf32> to vector<16x512xf32>
    %broadcast_in_dim3A_461 = vector.shape_cast %slice3A_460 : vector<16x512xf32> to vector<1x16x512xf32>
    %mul3A_462 = vector.broadcast %broadcast_in_dim3A_459 : vector<16x1x512xf32> to vector<16x16x512xf32>
    %mul3A_463 = vector.broadcast %broadcast_in_dim3A_461 : vector<1x16x512xf32> to vector<16x16x512xf32>
    %mul3A_464 = arith.mulf %mul3A_462, %mul3A_463 : vector<16x16x512xf32>
    %add3A_465 = arith.addf %add3A_457, %mul3A_464 : vector<16x16x512xf32>
    %slice3A_466 = vector.extract_strided_slice %add3A_342 {offsets = [224, 0], sizes = [16, 512], strides = [1, 1]} : vector<1024x512xf32> to vector<16x512xf32>
    %broadcast_in_dim3A_467 = vector.shape_cast %slice3A_466 : vector<16x512xf32> to vector<16x1x512xf32>
    %slice3A_468 = vector.extract_strided_slice %add3A_342 {offsets = [736, 0], sizes = [16, 512], strides = [1, 1]} : vector<1024x512xf32> to vector<16x512xf32>
    %broadcast_in_dim3A_469 = vector.shape_cast %slice3A_468 : vector<16x512xf32> to vector<1x16x512xf32>
    %mul3A_470 = vector.broadcast %broadcast_in_dim3A_467 : vector<16x1x512xf32> to vector<16x16x512xf32>
    %mul3A_471 = vector.broadcast %broadcast_in_dim3A_469 : vector<1x16x512xf32> to vector<16x16x512xf32>
    %mul3A_472 = arith.mulf %mul3A_470, %mul3A_471 : vector<16x16x512xf32>
    %add3A_473 = arith.addf %add3A_465, %mul3A_472 : vector<16x16x512xf32>
    %slice3A_474 = vector.extract_strided_slice %add3A_342 {offsets = [240, 0], sizes = [16, 512], strides = [1, 1]} : vector<1024x512xf32> to vector<16x512xf32>
    %broadcast_in_dim3A_475 = vector.shape_cast %slice3A_474 : vector<16x512xf32> to vector<16x1x512xf32>
    %slice3A_476 = vector.extract_strided_slice %add3A_342 {offsets = [752, 0], sizes = [16, 512], strides = [1, 1]} : vector<1024x512xf32> to vector<16x512xf32>
    %broadcast_in_dim3A_477 = vector.shape_cast %slice3A_476 : vector<16x512xf32> to vector<1x16x512xf32>
    %mul3A_478 = vector.broadcast %broadcast_in_dim3A_475 : vector<16x1x512xf32> to vector<16x16x512xf32>
    %mul3A_479 = vector.broadcast %broadcast_in_dim3A_477 : vector<1x16x512xf32> to vector<16x16x512xf32>
    %mul3A_480 = arith.mulf %mul3A_478, %mul3A_479 : vector<16x16x512xf32>
    %add3A_481 = arith.addf %add3A_473, %mul3A_480 : vector<16x16x512xf32>
    %slice3A_482 = vector.extract_strided_slice %add3A_342 {offsets = [256, 0], sizes = [16, 512], strides = [1, 1]} : vector<1024x512xf32> to vector<16x512xf32>
    %broadcast_in_dim3A_483 = vector.shape_cast %slice3A_482 : vector<16x512xf32> to vector<16x1x512xf32>
    %slice3A_484 = vector.extract_strided_slice %add3A_342 {offsets = [768, 0], sizes = [16, 512], strides = [1, 1]} : vector<1024x512xf32> to vector<16x512xf32>
    %broadcast_in_dim3A_485 = vector.shape_cast %slice3A_484 : vector<16x512xf32> to vector<1x16x512xf32>
    %mul3A_486 = vector.broadcast %broadcast_in_dim3A_483 : vector<16x1x512xf32> to vector<16x16x512xf32>
    %mul3A_487 = vector.broadcast %broadcast_in_dim3A_485 : vector<1x16x512xf32> to vector<16x16x512xf32>
    %mul3A_488 = arith.mulf %mul3A_486, %mul3A_487 : vector<16x16x512xf32>
    %add3A_489 = arith.addf %add3A_481, %mul3A_488 : vector<16x16x512xf32>
    %slice3A_490 = vector.extract_strided_slice %add3A_342 {offsets = [272, 0], sizes = [16, 512], strides = [1, 1]} : vector<1024x512xf32> to vector<16x512xf32>
    %broadcast_in_dim3A_491 = vector.shape_cast %slice3A_490 : vector<16x512xf32> to vector<16x1x512xf32>
    %slice3A_492 = vector.extract_strided_slice %add3A_342 {offsets = [784, 0], sizes = [16, 512], strides = [1, 1]} : vector<1024x512xf32> to vector<16x512xf32>
    %broadcast_in_dim3A_493 = vector.shape_cast %slice3A_492 : vector<16x512xf32> to vector<1x16x512xf32>
    %mul3A_494 = vector.broadcast %broadcast_in_dim3A_491 : vector<16x1x512xf32> to vector<16x16x512xf32>
    %mul3A_495 = vector.broadcast %broadcast_in_dim3A_493 : vector<1x16x512xf32> to vector<16x16x512xf32>
    %mul3A_496 = arith.mulf %mul3A_494, %mul3A_495 : vector<16x16x512xf32>
    %add3A_497 = arith.addf %add3A_489, %mul3A_496 : vector<16x16x512xf32>
    %slice3A_498 = vector.extract_strided_slice %add3A_342 {offsets = [288, 0], sizes = [16, 512], strides = [1, 1]} : vector<1024x512xf32> to vector<16x512xf32>
    %broadcast_in_dim3A_499 = vector.shape_cast %slice3A_498 : vector<16x512xf32> to vector<16x1x512xf32>
    %slice3A_500 = vector.extract_strided_slice %add3A_342 {offsets = [800, 0], sizes = [16, 512], strides = [1, 1]} : vector<1024x512xf32> to vector<16x512xf32>
    %broadcast_in_dim3A_501 = vector.shape_cast %slice3A_500 : vector<16x512xf32> to vector<1x16x512xf32>
    %mul3A_502 = vector.broadcast %broadcast_in_dim3A_499 : vector<16x1x512xf32> to vector<16x16x512xf32>
    %mul3A_503 = vector.broadcast %broadcast_in_dim3A_501 : vector<1x16x512xf32> to vector<16x16x512xf32>
    %mul3A_504 = arith.mulf %mul3A_502, %mul3A_503 : vector<16x16x512xf32>
    %add3A_505 = arith.addf %add3A_497, %mul3A_504 : vector<16x16x512xf32>
    %slice3A_506 = vector.extract_strided_slice %add3A_342 {offsets = [304, 0], sizes = [16, 512], strides = [1, 1]} : vector<1024x512xf32> to vector<16x512xf32>
    %broadcast_in_dim3A_507 = vector.shape_cast %slice3A_506 : vector<16x512xf32> to vector<16x1x512xf32>
    %slice3A_508 = vector.extract_strided_slice %add3A_342 {offsets = [816, 0], sizes = [16, 512], strides = [1, 1]} : vector<1024x512xf32> to vector<16x512xf32>
    %broadcast_in_dim3A_509 = vector.shape_cast %slice3A_508 : vector<16x512xf32> to vector<1x16x512xf32>
    %mul3A_510 = vector.broadcast %broadcast_in_dim3A_507 : vector<16x1x512xf32> to vector<16x16x512xf32>
    %mul3A_511 = vector.broadcast %broadcast_in_dim3A_509 : vector<1x16x512xf32> to vector<16x16x512xf32>
    %mul3A_512 = arith.mulf %mul3A_510, %mul3A_511 : vector<16x16x512xf32>
    %add3A_513 = arith.addf %add3A_505, %mul3A_512 : vector<16x16x512xf32>
    %slice3A_514 = vector.extract_strided_slice %add3A_342 {offsets = [320, 0], sizes = [16, 512], strides = [1, 1]} : vector<1024x512xf32> to vector<16x512xf32>
    %broadcast_in_dim3A_515 = vector.shape_cast %slice3A_514 : vector<16x512xf32> to vector<16x1x512xf32>
    %slice3A_516 = vector.extract_strided_slice %add3A_342 {offsets = [832, 0], sizes = [16, 512], strides = [1, 1]} : vector<1024x512xf32> to vector<16x512xf32>
    %broadcast_in_dim3A_517 = vector.shape_cast %slice3A_516 : vector<16x512xf32> to vector<1x16x512xf32>
    %mul3A_518 = vector.broadcast %broadcast_in_dim3A_515 : vector<16x1x512xf32> to vector<16x16x512xf32>
    %mul3A_519 = vector.broadcast %broadcast_in_dim3A_517 : vector<1x16x512xf32> to vector<16x16x512xf32>
    %mul3A_520 = arith.mulf %mul3A_518, %mul3A_519 : vector<16x16x512xf32>
    %add3A_521 = arith.addf %add3A_513, %mul3A_520 : vector<16x16x512xf32>
    %slice3A_522 = vector.extract_strided_slice %add3A_342 {offsets = [336, 0], sizes = [16, 512], strides = [1, 1]} : vector<1024x512xf32> to vector<16x512xf32>
    %broadcast_in_dim3A_523 = vector.shape_cast %slice3A_522 : vector<16x512xf32> to vector<16x1x512xf32>
    %slice3A_524 = vector.extract_strided_slice %add3A_342 {offsets = [848, 0], sizes = [16, 512], strides = [1, 1]} : vector<1024x512xf32> to vector<16x512xf32>
    %broadcast_in_dim3A_525 = vector.shape_cast %slice3A_524 : vector<16x512xf32> to vector<1x16x512xf32>
    %mul3A_526 = vector.broadcast %broadcast_in_dim3A_523 : vector<16x1x512xf32> to vector<16x16x512xf32>
    %mul3A_527 = vector.broadcast %broadcast_in_dim3A_525 : vector<1x16x512xf32> to vector<16x16x512xf32>
    %mul3A_528 = arith.mulf %mul3A_526, %mul3A_527 : vector<16x16x512xf32>
    %add3A_529 = arith.addf %add3A_521, %mul3A_528 : vector<16x16x512xf32>
    %slice3A_530 = vector.extract_strided_slice %add3A_342 {offsets = [352, 0], sizes = [16, 512], strides = [1, 1]} : vector<1024x512xf32> to vector<16x512xf32>
    %broadcast_in_dim3A_531 = vector.shape_cast %slice3A_530 : vector<16x512xf32> to vector<16x1x512xf32>
    %slice3A_532 = vector.extract_strided_slice %add3A_342 {offsets = [864, 0], sizes = [16, 512], strides = [1, 1]} : vector<1024x512xf32> to vector<16x512xf32>
    %broadcast_in_dim3A_533 = vector.shape_cast %slice3A_532 : vector<16x512xf32> to vector<1x16x512xf32>
    %mul3A_534 = vector.broadcast %broadcast_in_dim3A_531 : vector<16x1x512xf32> to vector<16x16x512xf32>
    %mul3A_535 = vector.broadcast %broadcast_in_dim3A_533 : vector<1x16x512xf32> to vector<16x16x512xf32>
    %mul3A_536 = arith.mulf %mul3A_534, %mul3A_535 : vector<16x16x512xf32>
    %add3A_537 = arith.addf %add3A_529, %mul3A_536 : vector<16x16x512xf32>
    %slice3A_538 = vector.extract_strided_slice %add3A_342 {offsets = [368, 0], sizes = [16, 512], strides = [1, 1]} : vector<1024x512xf32> to vector<16x512xf32>
    %broadcast_in_dim3A_539 = vector.shape_cast %slice3A_538 : vector<16x512xf32> to vector<16x1x512xf32>
    %slice3A_540 = vector.extract_strided_slice %add3A_342 {offsets = [880, 0], sizes = [16, 512], strides = [1, 1]} : vector<1024x512xf32> to vector<16x512xf32>
    %broadcast_in_dim3A_541 = vector.shape_cast %slice3A_540 : vector<16x512xf32> to vector<1x16x512xf32>
    %mul3A_542 = vector.broadcast %broadcast_in_dim3A_539 : vector<16x1x512xf32> to vector<16x16x512xf32>
    %mul3A_543 = vector.broadcast %broadcast_in_dim3A_541 : vector<1x16x512xf32> to vector<16x16x512xf32>
    %mul3A_544 = arith.mulf %mul3A_542, %mul3A_543 : vector<16x16x512xf32>
    %add3A_545 = arith.addf %add3A_537, %mul3A_544 : vector<16x16x512xf32>
    %slice3A_546 = vector.extract_strided_slice %add3A_342 {offsets = [384, 0], sizes = [16, 512], strides = [1, 1]} : vector<1024x512xf32> to vector<16x512xf32>
    %broadcast_in_dim3A_547 = vector.shape_cast %slice3A_546 : vector<16x512xf32> to vector<16x1x512xf32>
    %slice3A_548 = vector.extract_strided_slice %add3A_342 {offsets = [896, 0], sizes = [16, 512], strides = [1, 1]} : vector<1024x512xf32> to vector<16x512xf32>
    %broadcast_in_dim3A_549 = vector.shape_cast %slice3A_548 : vector<16x512xf32> to vector<1x16x512xf32>
    %mul3A_550 = vector.broadcast %broadcast_in_dim3A_547 : vector<16x1x512xf32> to vector<16x16x512xf32>
    %mul3A_551 = vector.broadcast %broadcast_in_dim3A_549 : vector<1x16x512xf32> to vector<16x16x512xf32>
    %mul3A_552 = arith.mulf %mul3A_550, %mul3A_551 : vector<16x16x512xf32>
    %add3A_553 = arith.addf %add3A_545, %mul3A_552 : vector<16x16x512xf32>
    %slice3A_554 = vector.extract_strided_slice %add3A_342 {offsets = [400, 0], sizes = [16, 512], strides = [1, 1]} : vector<1024x512xf32> to vector<16x512xf32>
    %broadcast_in_dim3A_555 = vector.shape_cast %slice3A_554 : vector<16x512xf32> to vector<16x1x512xf32>
    %slice3A_556 = vector.extract_strided_slice %add3A_342 {offsets = [912, 0], sizes = [16, 512], strides = [1, 1]} : vector<1024x512xf32> to vector<16x512xf32>
    %broadcast_in_dim3A_557 = vector.shape_cast %slice3A_556 : vector<16x512xf32> to vector<1x16x512xf32>
    %mul3A_558 = vector.broadcast %broadcast_in_dim3A_555 : vector<16x1x512xf32> to vector<16x16x512xf32>
    %mul3A_559 = vector.broadcast %broadcast_in_dim3A_557 : vector<1x16x512xf32> to vector<16x16x512xf32>
    %mul3A_560 = arith.mulf %mul3A_558, %mul3A_559 : vector<16x16x512xf32>
    %add3A_561 = arith.addf %add3A_553, %mul3A_560 : vector<16x16x512xf32>
    %slice3A_562 = vector.extract_strided_slice %add3A_342 {offsets = [416, 0], sizes = [16, 512], strides = [1, 1]} : vector<1024x512xf32> to vector<16x512xf32>
    %broadcast_in_dim3A_563 = vector.shape_cast %slice3A_562 : vector<16x512xf32> to vector<16x1x512xf32>
    %slice3A_564 = vector.extract_strided_slice %add3A_342 {offsets = [928, 0], sizes = [16, 512], strides = [1, 1]} : vector<1024x512xf32> to vector<16x512xf32>
    %broadcast_in_dim3A_565 = vector.shape_cast %slice3A_564 : vector<16x512xf32> to vector<1x16x512xf32>
    %mul3A_566 = vector.broadcast %broadcast_in_dim3A_563 : vector<16x1x512xf32> to vector<16x16x512xf32>
    %mul3A_567 = vector.broadcast %broadcast_in_dim3A_565 : vector<1x16x512xf32> to vector<16x16x512xf32>
    %mul3A_568 = arith.mulf %mul3A_566, %mul3A_567 : vector<16x16x512xf32>
    %add3A_569 = arith.addf %add3A_561, %mul3A_568 : vector<16x16x512xf32>
    %slice3A_570 = vector.extract_strided_slice %add3A_342 {offsets = [432, 0], sizes = [16, 512], strides = [1, 1]} : vector<1024x512xf32> to vector<16x512xf32>
    %broadcast_in_dim3A_571 = vector.shape_cast %slice3A_570 : vector<16x512xf32> to vector<16x1x512xf32>
    %slice3A_572 = vector.extract_strided_slice %add3A_342 {offsets = [944, 0], sizes = [16, 512], strides = [1, 1]} : vector<1024x512xf32> to vector<16x512xf32>
    %broadcast_in_dim3A_573 = vector.shape_cast %slice3A_572 : vector<16x512xf32> to vector<1x16x512xf32>
    %mul3A_574 = vector.broadcast %broadcast_in_dim3A_571 : vector<16x1x512xf32> to vector<16x16x512xf32>
    %mul3A_575 = vector.broadcast %broadcast_in_dim3A_573 : vector<1x16x512xf32> to vector<16x16x512xf32>
    %mul3A_576 = arith.mulf %mul3A_574, %mul3A_575 : vector<16x16x512xf32>
    %add3A_577 = arith.addf %add3A_569, %mul3A_576 : vector<16x16x512xf32>
    %slice3A_578 = vector.extract_strided_slice %add3A_342 {offsets = [448, 0], sizes = [16, 512], strides = [1, 1]} : vector<1024x512xf32> to vector<16x512xf32>
    %broadcast_in_dim3A_579 = vector.shape_cast %slice3A_578 : vector<16x512xf32> to vector<16x1x512xf32>
    %slice3A_580 = vector.extract_strided_slice %add3A_342 {offsets = [960, 0], sizes = [16, 512], strides = [1, 1]} : vector<1024x512xf32> to vector<16x512xf32>
    %broadcast_in_dim3A_581 = vector.shape_cast %slice3A_580 : vector<16x512xf32> to vector<1x16x512xf32>
    %mul3A_582 = vector.broadcast %broadcast_in_dim3A_579 : vector<16x1x512xf32> to vector<16x16x512xf32>
    %mul3A_583 = vector.broadcast %broadcast_in_dim3A_581 : vector<1x16x512xf32> to vector<16x16x512xf32>
    %mul3A_584 = arith.mulf %mul3A_582, %mul3A_583 : vector<16x16x512xf32>
    %add3A_585 = arith.addf %add3A_577, %mul3A_584 : vector<16x16x512xf32>
    %slice3A_586 = vector.extract_strided_slice %add3A_342 {offsets = [464, 0], sizes = [16, 512], strides = [1, 1]} : vector<1024x512xf32> to vector<16x512xf32>
    %broadcast_in_dim3A_587 = vector.shape_cast %slice3A_586 : vector<16x512xf32> to vector<16x1x512xf32>
    %slice3A_588 = vector.extract_strided_slice %add3A_342 {offsets = [976, 0], sizes = [16, 512], strides = [1, 1]} : vector<1024x512xf32> to vector<16x512xf32>
    %broadcast_in_dim3A_589 = vector.shape_cast %slice3A_588 : vector<16x512xf32> to vector<1x16x512xf32>
    %mul3A_590 = vector.broadcast %broadcast_in_dim3A_587 : vector<16x1x512xf32> to vector<16x16x512xf32>
    %mul3A_591 = vector.broadcast %broadcast_in_dim3A_589 : vector<1x16x512xf32> to vector<16x16x512xf32>
    %mul3A_592 = arith.mulf %mul3A_590, %mul3A_591 : vector<16x16x512xf32>
    %add3A_593 = arith.addf %add3A_585, %mul3A_592 : vector<16x16x512xf32>
    %slice3A_594 = vector.extract_strided_slice %add3A_342 {offsets = [480, 0], sizes = [16, 512], strides = [1, 1]} : vector<1024x512xf32> to vector<16x512xf32>
    %broadcast_in_dim3A_595 = vector.shape_cast %slice3A_594 : vector<16x512xf32> to vector<16x1x512xf32>
    %slice3A_596 = vector.extract_strided_slice %add3A_342 {offsets = [992, 0], sizes = [16, 512], strides = [1, 1]} : vector<1024x512xf32> to vector<16x512xf32>
    %broadcast_in_dim3A_597 = vector.shape_cast %slice3A_596 : vector<16x512xf32> to vector<1x16x512xf32>
    %mul3A_598 = vector.broadcast %broadcast_in_dim3A_595 : vector<16x1x512xf32> to vector<16x16x512xf32>
    %mul3A_599 = vector.broadcast %broadcast_in_dim3A_597 : vector<1x16x512xf32> to vector<16x16x512xf32>
    %mul3A_600 = arith.mulf %mul3A_598, %mul3A_599 : vector<16x16x512xf32>
    %add3A_601 = arith.addf %add3A_593, %mul3A_600 : vector<16x16x512xf32>
    %slice3A_602 = vector.extract_strided_slice %add3A_342 {offsets = [496, 0], sizes = [16, 512], strides = [1, 1]} : vector<1024x512xf32> to vector<16x512xf32>
    %broadcast_in_dim3A_603 = vector.shape_cast %slice3A_602 : vector<16x512xf32> to vector<16x1x512xf32>
    %slice3A_604 = vector.extract_strided_slice %add3A_342 {offsets = [1008, 0], sizes = [16, 512], strides = [1, 1]} : vector<1024x512xf32> to vector<16x512xf32>
    %broadcast_in_dim3A_605 = vector.shape_cast %slice3A_604 : vector<16x512xf32> to vector<1x16x512xf32>
    %mul3A_606 = vector.broadcast %broadcast_in_dim3A_603 : vector<16x1x512xf32> to vector<16x16x512xf32>
    %mul3A_607 = vector.broadcast %broadcast_in_dim3A_605 : vector<1x16x512xf32> to vector<16x16x512xf32>
    %mul3A_608 = arith.mulf %mul3A_606, %mul3A_607 : vector<16x16x512xf32>
    %add3A_609 = arith.addf %add3A_601, %mul3A_608 : vector<16x16x512xf32>
    %reduce_max3A_610 = arith.constant dense<0xFF800000> : vector<16x512xf32>
    %reduce_max3A_611 = vector.multi_reduction <maximumf>, %add3A_609, %reduce_max3A_610 [1] : vector<16x16x512xf32> to vector<16x512xf32>
    %broadcast_in_dim3A_612 = vector.shape_cast %reduce_max3A_611 : vector<16x512xf32> to vector<16x1x512xf32>
    %sub3A_613 = vector.broadcast %broadcast_in_dim3A_612 : vector<16x1x512xf32> to vector<16x16x512xf32>
    %sub3A_614 = arith.subf %add3A_609, %sub3A_613 : vector<16x16x512xf32>
    %exp3A_615 = math.exp %sub3A_614 : vector<16x16x512xf32>
    %reduce_sum3A_616 = arith.constant dense<0.000000e+00> : vector<16x512xf32>
    %reduce_sum3A_617 = vector.multi_reduction <add>, %exp3A_615, %reduce_sum3A_616 [1] : vector<16x16x512xf32> to vector<16x512xf32>
    %slice3A_618 = vector.extract_strided_slice %exp3A_615 {offsets = [0, 0, 0], sizes = [16, 1, 512], strides = [1, 1, 1]} : vector<16x16x512xf32> to vector<16x1x512xf32>
    %squeeze3A_619 = vector.shape_cast %slice3A_618 : vector<16x1x512xf32> to vector<16x512xf32>
    %div3A_620 = arith.divf %squeeze3A_619, %reduce_sum3A_617 : vector<16x512xf32>
    %concatenate3A_621 = tpu.concatenate %div3A_620, %div3A_620, %div3A_620, %div3A_620, %div3A_620, %div3A_620, %div3A_620, %div3A_620, %div3A_620, %div3A_620, %div3A_620, %div3A_620, %div3A_620, %div3A_620, %div3A_620, %div3A_620, %div3A_620, %div3A_620, %div3A_620, %div3A_620, %div3A_620, %div3A_620, %div3A_620, %div3A_620, %div3A_620, %div3A_620, %div3A_620, %div3A_620, %div3A_620, %div3A_620, %div3A_620, %div3A_620 in 0 : vector<16x512xf32>, vector<16x512xf32>, vector<16x512xf32>, vector<16x512xf32>, vector<16x512xf32>, vector<16x512xf32>, vector<16x512xf32>, vector<16x512xf32>, vector<16x512xf32>, vector<16x512xf32>, vector<16x512xf32>, vector<16x512xf32>, vector<16x512xf32>, vector<16x512xf32>, vector<16x512xf32>, vector<16x512xf32>, vector<16x512xf32>, vector<16x512xf32>, vector<16x512xf32>, vector<16x512xf32>, vector<16x512xf32>, vector<16x512xf32>, vector<16x512xf32>, vector<16x512xf32>, vector<16x512xf32>, vector<16x512xf32>, vector<16x512xf32>, vector<16x512xf32>, vector<16x512xf32>, vector<16x512xf32>, vector<16x512xf32>, vector<16x512xf32> -> vector<512x512xf32>
    %mul3A_622 = arith.mulf %add3A_354, %concatenate3A_621 : vector<512x512xf32>
    %reshape3A_623 = vector.shape_cast %mul3A_622 : vector<512x512xf32> to vector<32x16x512xf32>
    %reduce_sum3A_624 = arith.constant dense<0.000000e+00> : vector<32x512xf32>
    %reduce_sum3A_625 = vector.multi_reduction <add>, %reshape3A_623, %reduce_sum3A_624 [1] : vector<32x16x512xf32> to vector<32x512xf32>
    %slice3A_626 = vector.extract_strided_slice %get3A_4 {offsets = [0, 0], sizes = [4, 512], strides = [1, 1]} : vector<8x512xf32> to vector<4x512xf32>
    %concatenate3A_627 = tpu.concatenate %slice3A_626, %reduce_sum3A_625 in 0 : vector<4x512xf32>, vector<32x512xf32> -> vector<36x512xf32>
    %swap3A_628 = arith.constant 0 : index
    %swap3A_629 = arith.constant 0 : index
    %swap3A_630 = arith.constant 0 : index
    %swap3A_631 = arith.constant 0 : index
    %swap3A_632 = vector.load %arg9[%swap3A_628, %swap3A_629, %swap3A_630, %swap3A_631] : memref<1x1x36x512xf32, #tpu.memory_space<vmem>>, vector<1x1x36x512xf32>
    %swap3A_633 = vector.shape_cast %swap3A_632 : vector<1x1x36x512xf32> to vector<36x512xf32>
    %swap3A_634 = vector.shape_cast %concatenate3A_627 : vector<36x512xf32> to vector<1x1x36x512xf32>
    tpu.vector_store %arg9[%swap3A_628, %swap3A_629, %swap3A_630, %swap3A_631], %swap3A_634 {strides = array<i32>} : memref<1x1x36x512xf32, #tpu.memory_space<vmem>>, vector<1x1x36x512xf32>,
    return
  }
  func.func @transform_0(%arg0: i32, %arg1: i32) -> (i32, i32, i32, i32) {
    %c0_i32 = arith.constant 0 : i32
    %c0_i32_0 = arith.constant 0 : i32
    %c0_i32_1 = arith.constant 0 : i32
    return %arg0, %arg1, %c0_i32, %c0_i32_0 : i32, i32, i32, i32
  }
  func.func @transform_1(%arg0: i32, %arg1: i32) -> (i32, i32, i32) {
    %mul3A = arith.constant 8 : i32
    %mul3A_0 = arith.muli %arg0, %mul3A : i32
    %add3A = arith.addi %mul3A_0, %arg1 : i32
    %c0_i32 = arith.constant 0 : i32
    %c0_i32_1 = arith.constant 0 : i32
    %c0_i32_2 = arith.constant 0 : i32
    return %add3A, %c0_i32, %c0_i32_1 : i32, i32, i32
  }
  func.func @transform_2(%arg0: i32, %arg1: i32) -> (i32, i32, i32) {
    %c0_i32 = arith.constant 0 : i32
    %c0_i32_0 = arith.constant 0 : i32
    %c0_i32_1 = arith.constant 0 : i32
    %c0_i32_2 = arith.constant 0 : i32
    return %c0_i32, %c0_i32_0, %c0_i32_1 : i32, i32, i32
  }
  func.func @transform_3(%arg0: i32, %arg1: i32) -> (i32, i32) {
    %c0_i32 = arith.constant 0 : i32
    %c0_i32_0 = arith.constant 0 : i32
    %c0_i32_1 = arith.constant 0 : i32
    return %c0_i32, %c0_i32_0 : i32, i32
  }
  func.func @transform_4(%arg0: i32, %arg1: i32) -> (i32, i32, i32) {
    %c0_i32 = arith.constant 0 : i32
    %c0_i32_0 = arith.constant 0 : i32
    %c0_i32_1 = arith.constant 0 : i32
    %c0_i32_2 = arith.constant 0 : i32
    return %c0_i32, %c0_i32_0, %c0_i32_1 : i32, i32, i32
  }
  func.func @transform_5(%arg0: i32, %arg1: i32) -> (i32, i32) {
    %c0_i32 = arith.constant 0 : i32
    %c0_i32_0 = arith.constant 0 : i32
    %c0_i32_1 = arith.constant 0 : i32
    return %c0_i32, %c0_i32_0 : i32, i32
  }
  func.func @transform_6(%arg0: i32, %arg1: i32) -> (i32, i32, i32, i32) {
    %c0_i32 = arith.constant 0 : i32
    %c0_i32_0 = arith.constant 0 : i32
    %c0_i32_1 = arith.constant 0 : i32
    return %arg0, %arg1, %c0_i32, %c0_i32_0 : i32, i32, i32, i32
  }
  func.func @transform_7(%arg0: i32, %arg1: i32) -> (i32, i32, i32, i32) {
    %c0_i32 = arith.constant 0 : i32
    %c0_i32_0 = arith.constant 0 : i32
    %c0_i32_1 = arith.constant 0 : i32
    return %arg0, %arg1, %c0_i32, %c0_i32_0 : i32, i32, i32, i32
  }
}

</mosaic_0001>

<sc_bundles>
// kernel: kernel.5.cloned.1.call-start
scs
__scs_entry_jumppad:
0x0: {  	(pc) =	sbr.rel $0x88, $3  }
0x1: {  	(tag) =	ssettag $0x0;
	lr =	simm.s32 $0x1  }
0x2: {  	[smem:$0x3F9C] =	sst lr;
	_ =	strace $0xD0000000  }
0x3: {  	_ = 	snop  }
0x4: {  	_ = 	snop  }
0x5: {  	_ = 	snop  }
0x6: {  	_ = 	snop  }
0x7: {  	_ = 	snop  }
__scs_overlays_trampoline_lowered:
0x8: {  	[smem:$0x3FAB] =	sst s0  }
0x9: {  	[smem:$0x3FAC] =	sst s1  }
0xa: {  	[smem:$0x3FAD] =	sst s2  }
0xb: {  	[smem:$0x3FAE] =	sst s3  }
0xc: {  	[smem:$0x3FAF] =	sst s4  }
0xd: {  	[smem:$0x3FB0] =	sst s5  }
0xe: {  	[smem:$0x3FB1] =	sst s6  }
0xf: {  	[smem:$0x3FB2] =	sst s7  }
0x10: {  	[smem:$0x3FB3] =	sst s8  }
0x11: {  	[smem:$0x3FB4] =	sst s9;
	s0 =	simm.s32 @!p0 $0x0  }
0x12: {  	s1 =	sld [smem:$0x3F9A];
	s0 =	simm.s32 @p0 $0x1  }
0x13: {  	[smem:$0x3FB5] =	sst s0;
	s0 =	simm.s32 @!p1 $0x0  }
0x14: {  	s2 =	sld [smem:$0x3F99];
	s0 =	simm.s32 @p1 $0x1  }
0x15: {  	[smem:$0x3FB6] =	sst s0;
	s0 =	simm.s32 @!p2 $0x0  }
0x16: {  	s3 =	sld [smem:$0x3FDB];
	s0 =	simm.s32 @p2 $0x1  }
0x17: {  	s4 =	simm.s32 $0x1BF5;
	[smem:$0x3FB8] =	sst s0  }
0x18: {  	s0 =	sld [smem:$0x3F9B];
	_ =	swait.ge [sflag:s4], $0x0  }
0x19: {  	s7 =	sld [smem:$0x3F9C]  }
0x1a: {  	s8 =	sadd.s32 $0xFFFFE003, lr  }
0x1b: {  	s9 =	sadd.s32 $0xFFFFFEF7, lr;
	s5 =	simm.s32 $0xFFFFFFFF;
	p2 =	slt.u32 s8, $0xFFFFF086  }
0x1c: {  	p1 =	slt.u32 s9, $0xF7A;
	s5 =	simm.s32 @!p2 $0x0  }
0x1d: {  	s5 =	simm.s32 @p1 $0x1;
	p0 =	seq.s32 s7, s2  }
0x1e: {  	s7 =	smul.u32 @!p0 $0xF7A, s2;
	p2 =	seq.s32 @!p0 s5, $0x0  }
0x1f: {  	s9 =	smul.u32 $0xF7A, s1;
	s8 =	simm.s32 @!p0 $0x1BF5;
	p2 =	por !p2, p0  }
0x20: {  	[sflag:s8] =	ssyncset.s32 @!p0 $0xFFFFF086;
	s6 =	sadd.s32 @!p0 s3, s7;
	s7 =	simm.s32 @!p0 $0x108  }
0x21: {  	s3 =	sadd.s32 s3, s9;
	s6 =	sadd.s32 @!p0 $0x88, s6;
	s7 =	simm.s32 @p2 $0x1082  }
0x22: {  	[simem:s7], [sflag:s8] =	dma.local @!p0 [hbm:s6], $0xF7A  }
0x23: {  	s9 =	sor.u32 $0xD0000000, s2;
	s6 =	simm.s32 $0x108;
	_ =	swait.ge @!p0 [sflag:s8], $0x0  }
0x24: {  	s3 =	sadd.s32 $0x88, s3;
	s6 =	simm.s32 @!p1 $0x1082;
	[sflag:s4] =	ssyncset.s32 $0xFFFFF086  }
0x25: {  	[simem:s6], [sflag:s4] =	dma.local [hbm:s3], $0xF7A  }
0x26: {  	[smem:$0x3F9C] =	sst s1;
	(tag) =	ssettag s2;
	_ =	strace s9  }
0x27: {  	s1 =	sld [smem:$0x3FAC]  }
0x28: {  	s2 =	sld [smem:$0x3FAD]  }
0x29: {  	s4 =	sld [smem:$0x3FAF]  }
0x2a: {  	p0 =	seq.s32 s5, $0x0;
	s5 =	sld [smem:$0x3FB0]  }
0x2b: {  	s6 =	sld [smem:$0x3FB1]  }
0x2c: {  	s7 =	sld [smem:$0x3FB2]  }
0x2d: {  	s3 =	simm.s32 $0x108;
	s8 =	sld [smem:$0x3FB3]  }
0x2e: {  	s3 =	simm.s32 @!p0 $0x1082;
	s9 =	sld [smem:$0x3FB4]  }
0x2f: {  	lr =	sadd.s32 s0, s3;
	s0 =	sld [smem:$0x3FAB]  }
0x30: {  	s3 =	sld [smem:$0x3FAE]  }
0x31: {  	[smem:$0x3FB7] =	sst s10  }
0x32: {  	s10 =	sld [smem:$0x3FB5];
	_ =	sdelay $0x3  }
0x33: {  	p0 =	seq.s32 s10, $0x1;
	s10 =	sld [smem:$0x3FB7];
	_ =	sdelay $0x3  }
0x34: {  	[smem:$0x3FB7] =	sst s10  }
0x35: {  	s10 =	sld [smem:$0x3FB6];
	_ =	sdelay $0x3  }
0x36: {  	p1 =	seq.s32 s10, $0x1;
	s10 =	sld [smem:$0x3FB7];
	_ =	sdelay $0x3  }
0x37: {  	[smem:$0x3FB7] =	sst s10  }
0x38: {  	s10 =	sld [smem:$0x3FB8]  }
0x39: {  	_ = 	snop;
	(pc) =	sbr.ind lr, $3  }
0x3a: {  	_ = 	snop  }
0x3b: {  	_ = 	snop  }
0x3c: {  	p2 =	seq.s32 s10, $0x1;
	s10 =	sld [smem:$0x3FB7]  }
0x3d: {  	_ =	shalt  }
0x3e: {  	_ =	shalt  }
0x3f: {  	_ =	shalt  }
0x40: {  	_ =	shalt  }
0x41: {  	_ =	shalt  }
0x42: {  	_ =	shalt  }
0x43: {  	_ =	shalt  }
0x44: {  	_ =	shalt  }
0x45: {  	_ =	shalt  }
0x46: {  	_ =	shalt  }
0x47: {  	_ =	shalt  }
0x48: {  	_ =	shalt  }
0x49: {  	_ =	shalt  }
0x4a: {  	_ =	shalt  }
0x4b: {  	_ =	shalt  }
0x4c: {  	_ =	shalt  }
0x4d: {  	_ =	shalt  }
0x4e: {  	_ =	shalt  }
0x4f: {  	_ =	shalt  }
0x50: {  	_ =	shalt  }
0x51: {  	_ =	shalt  }
0x52: {  	_ =	shalt  }
0x53: {  	_ =	shalt  }
0x54: {  	_ =	shalt  }
0x55: {  	_ =	shalt  }
0x56: {  	_ =	shalt  }
0x57: {  	_ =	shalt  }
0x58: {  	_ =	shalt  }
0x59: {  	_ =	shalt  }
0x5a: {  	_ =	shalt  }
0x5b: {  	_ =	shalt  }
0x5c: {  	_ =	shalt  }
0x5d: {  	_ =	shalt  }
0x5e: {  	_ =	shalt  }
0x5f: {  	_ =	shalt  }
0x60: {  	_ =	shalt  }
0x61: {  	_ =	shalt  }
0x62: {  	_ =	shalt  }
0x63: {  	_ =	shalt  }
0x64: {  	_ =	shalt  }
0x65: {  	_ =	shalt  }
0x66: {  	_ =	shalt  }
0x67: {  	_ =	shalt  }
0x68: {  	_ =	shalt  }
0x69: {  	_ =	shalt  }
0x6a: {  	_ =	shalt  }
0x6b: {  	_ =	shalt  }
0x6c: {  	_ =	shalt  }
0x6d: {  	_ =	shalt  }
0x6e: {  	_ =	shalt  }
0x6f: {  	_ =	shalt  }
0x70: {  	_ =	shalt  }
0x71: {  	_ =	shalt  }
0x72: {  	_ =	shalt  }
0x73: {  	_ =	shalt  }
0x74: {  	_ =	shalt  }
0x75: {  	_ =	shalt  }
0x76: {  	_ =	shalt  }
0x77: {  	_ =	shalt  }
0x78: {  	_ =	shalt  }
0x79: {  	_ =	shalt  }
0x7a: {  	_ =	shalt  }
0x7b: {  	_ =	shalt  }
0x7c: {  	_ =	shalt  }
0x7d: {  	_ =	shalt  }
0x7e: {  	_ =	shalt  }
0x7f: {  	_ =	shalt  }
0x80: {  	_ =	shalt  }
0x81: {  	_ =	shalt  }
0x82: {  	_ =	shalt  }
0x83: {  	_ =	shalt  }
0x84: {  	_ =	shalt  }
0x85: {  	_ =	shalt  }
0x86: {  	_ =	shalt  }
0x87: {  	_ =	shalt  }
.Lfunc_end0:
.L_simem_size_0:
called_computation_lowered:
.L_overlay_start_0:
0x88: {  	s2 =	sld [smem:$0x3FD9]  }
0x89: {  	s3 =	sld [smem:$0x3FFE];
	_ =	sdelay $0x1  }
0x8a: {  	s1 =	srdreg.scid  }
0x8b: {  	s0 =	sand.u32 $0x1, s1  }
0x8c: {  	s14 =	sshll.u32 s0, $0xA;
	s2 =	sadd.s32 s3, s2  }
0x8d: {  	s2 =	sadd.s32 s2, s14  }
0x8e: {  	[smem:$0x3FC3] =	sst s2  }
0x8f: {  	_ = 	snop  }
0x90: {  	s2 =	sld [smem:$0x3FD0];
	_ =	sdelay $0x2  }
0x91: {  	s15 =	simm.s32 $0xA;
	s4 =	simm.s32 $0x10  }
0x92: {  	[smem:s4], [sflag:s15] =	dma.local [hbm:s2], $0x1  }
0x93: {  	_ =	swait.eq [sflag:s15], $0x1  }
0x94: {  	[sflag:s15] =	ssyncset.done $0x0  }
0x95: {  	s16 =	sld [smem:$0x10];
	[sflag:s15] =	ssyncadd.s32 $0xFFFFFFFF  }
0x96: {  	s17 =	sld [smem:$0x11];
	(tm) =	ssettm $0x1  }
0x97: {  	s18 =	sld [smem:$0x3FFB];
	_ =	sdelay $0x3  }
0x98: {  	_ =	strace s18  }
0x99: {  	s4 =	sld [smem:$0x3FFC];
	_ =	sdelay $0x3  }
0x9a: {  	_ =	strace s4  }
0x9b: {  	s4 =	sld [smem:$0x3FFD];
	_ =	sdelay $0x3  }
0x9c: {  	_ =	strace s4  }
0x9d: {  	_ =	strace $0x8FFFFFFF  }
0x9e: {  	s19 =	sld [smem:$0x3FDB];
	_ =	sdelay $0x1  }
0x9f: {  	s5 =	simm.s32 $_scs_section_size  }
0xa0: {  	s6 =	simm.s32 $_size__tile_overlayer_lowered;
	s7 =	simm.s32 $_tile_overlayer_lowered  }
0xa1: {  	s22 =	simm.s32 $0x1BFF;
	s21 =	sshll.u32 s7, $0x1;
	s4 =	sadd.s32 s5, s19  }
0xa2: {  	s8 =	simm.s32 $0x0;
	s20 =	sshll.u32 s6, $0x1;
	s6 =	sadd.s32 s21, s4  }
0xa3: {  	[timem:s8], [sflag:s22] =	dma.local [hbm:s6], s20  }
0xa4: {  	_ =	swait.ge [sflag:s22], s20  }
0xa5: {  	s5 =	ssub.s32 $0x0, s20;
	[sflag:s22] =	ssyncset.done $0x0  }
0xa6: {  	[sflag:s22] =	ssyncadd.s32 s5;
	_ =	sdelay $0x1  }
0xa7: {  	s23 =	simm.s32 $0x1B8B  }
0xa8: {  	_ =	swait.ge [sflag:s23], $0x1  }
0xa9: {  	[sflag:s23] =	ssyncset.done $0x0  }
0xaa: {  	s25 =	simm.s32 $0x1B8E;
	s24 =	sld [smem:$0x3FFE];
	[sflag:s23] =	ssyncadd.s32 $0xFFFFFFFF  }
0xab: {  	s26 =	simm.s32 $execute0_lowered;
	[smem:$0x3FD2] =	sst s25  }
0xac: {  	s6 =	sshll.u32 s26, $0x1;
	_ =	strace $0x80000046;
	[dreg:$0x1] =	wrdreg $0xFFFFFFFF  }
0xad: {  	s28 =	simm.s32 $_size_execute0_lowered;
	s4 =	sadd.s32 s4, s6;
	[dreg:$0x0] =	wrdreg $0x0  }
0xae: {  	s6 =	sshll.u32 s28, $0x1;
	[dreg:$0x2] =	wrdreg s4  }
0xaf: {  	[dreg:$0x3] =	wrdreg s6  }
0xb0: {  	[dreg:$0x4] =	wrdreg $0xC0  }
0xb1: {  	_ =	task [dreg:s8], $0x5FFFF  }
0xb2: {  	[dreg:$0x1] =	wrdreg $0xFFFFFFFF  }
0xb3: {  	[dreg:$0x0] =	wrdreg $0x60  }
0xb4: {  	[dreg:$0x2] =	wrdreg s16  }
0xb5: {  	[dreg:$0x3] =	wrdreg s17  }
0xb6: {  	[dreg:$0x4] =	wrdreg s24  }
0xb7: {  	[dreg:$0x5] =	wrdreg $0x9  }
0xb8: {  	_ =	task.clear_ibuf [dreg:s8], $0x6FFFF;
	_ =	strace $0x90000046  }
0xb9: {  	s29 =	simm.s32 $0x9;
	_ =	strace $0x80000048  }
0xba: {  	_ =	swait.ge [sflag:s29], $0x1  }
0xbb: {  	[sflag:s29] =	ssyncadd.s32 $0xFFFFFFFF  }
0xbc: {  	_ =	strace $0x90000048  }
0xbd: {  	_ =	sfence  }
0xbe: {  	s30 =	sld [smem:$0x0];
	_ =	sdelay $0x2  }
0xbf: {  	s31 =	sshll.u32 s1, $0xD;
	s1 =	sshrl.u32 s1, $0x2  }
0xc0: {  	s3 =	sand.u32 $0x4000, s31;
	s1 =	sadd.s32 s1, s30  }
0xc1: {  	s0 =	sor.u32 s3, s0;
	s1 =	sshll.u32 s1, $0x11  }
0xc2: {  	s0 =	sor.u32 s1, s0  }
0xc3: {  	s0 =	sadd.s32 $0x8F2B, s0  }
0xc4: {  	[sflag:s0] =	ssyncadd.remote.s32 $0x1  }
0xc5: {  	_ =	sfence.sel $0xFFFF  }
0xc6: {  	[dreg:$0x0] =	wrdreg $0xFFFFFFFF;
	(pc) =	sbr.abs _section_cstart, $3  }
0xc7: {  	[dreg:$0x1] =	wrdreg $0xFFFFFFFF  }
0xc8: {  	_ =	task.clear_ibuf [dreg:s8], $0x2FFFF;
	_ =	strace $0x9FFFFFFF  }
0xc9: {  	(tm) =	ssettm $0x7FFFFFFF  }
tec
execute0_lowered:
.L_overlay_start_1:
0x0: {  	(tag) =	ssettag $0x1  }
0x1: {  	s1 =	srdreg.scid;
	s0 =	stileid.u32  }
0x2: {  	s3 =	sand.u32 $0x1, s1;
	s25 =	sshll.u32 s0, $0x1  }
0x3: {  	s5 =	sor.u32 s3, s25  }
0x4: {  	p1 =	seq.s32 s3, $0x1;
	p0 =	seq.s32 s5, $0x0  }
0x5: {  	p0 =	por !p0, !p1  }
0x6: {  	s1 =	simm.s32 $0x1;
	p0 =	por !p0, !p0  }
0x7: {  	s1 =	simm.s32 @!p0 $0x0  }
0x8: {  	s1 =	ssub.s32 s0, s1  }
0x9: {  	s4 =	rddreg [dreg:$0x0];
	s2 =	sand.u32 $0xE0, s1  }
0xa: {  	s7 =	rddreg [dreg:$0x1];
	s2 =	sshrl.u32 s2, $0x5  }
0xb: {  	s8 =	rddreg [dreg:$0x2];
	s2 =	sadd.s32 s2, s1  }
0xc: {  	s9 =	simm.s32 $0x1;
	s3 =	ssub.s32 $0x2, s3;
	s6 =	sand.u32 $0xFFFFFFF8, s2  }
0xd: {  	s26 =	sshll.u32 s5, $0xC;
	s28 =	sshrl.u32 s3, $0x1;
	s6 =	ssub.s32 s1, s6  }
0xe: {  	s5 =	sshll.u32 s5, $0x9;
	p5 =	slt.s32 s1, $0x1;
	p6 =	sne.s32 s6, $0x0  }
0xf: {  	s29 =	sadd.s32 s26, s8;
	s30 =	ssub.s32 s3, s28;
	p0 =	por !p5, !p6  }
0x10: {  	s3 =	simm.s32 $0x1;
	s6 =	sand.u32 $0x7, s6;
	p0 =	por !p0, !p0  }
0x11: {  	s10 =	sshrl.u32 s2, $0x3;
	s6 =	smax.u32 s6, $0x1;
	s9 =	simm.s32 @!p0 $0x0  }
0x12: {  	s5 =	sadd.s32 s7, s5;
	s6 =	smin.u32 s6, $0x6;
	s9 =	ssub.s32 s10, s9  }
0x13: {  	s8 =	simm.s32 $0x3000;
	s6 =	sshll.u32 s6, $0x9;
	s9 =	sshll.u32 s9, $0xC  }
0x14: {  	s2 =	simm.s32 $0x0;
	s1 =	rddreg [dreg:$0x3];
	s6 =	sor.u32 s9, s6  }
0x15: {  	s7 =	smax.u32 s30, $0x1;
	[smem:$0x7FF] =	sst s2;
	s11 =	sadd.s32 $0xFFFFFE00, s6  }
0x16: {  	_ =	strace $0x80000047;
	s10 =	simm.s32 $0x0;
	s31 =	sand.u32 $0x1FFFFE00, s11  }
0x17: {  	s9 =	simm.s32 $0x4000;
	s6 =	sadd.s32 $0xE00, s29;
	v0 =	vmov s11;
	s4 =	sadd.s32 s4, s31  }
.LBB2_1:
0x18: {  	[tilespmem:s2], [sflag:$0x1] =	stream.linear.gather [hbm4b:s4+s2], $0x3000, $0x38;
	[tilespmem:$0xC000] =	vst v63  }
0x19: {  	_ =	swait.ge [sflag:s3], $0x3000  }
0x1a: {  	[sflag:s3] =	ssyncset.done $0x0  }
0x1b: {  	[sflag:s3] =	ssyncadd.s32 $0xFFFFD000  }
0x1c: {  	[tilespmem:s8], [sflag:$0x1] =	stream.linear.gather [hbm4b:s5+s2], $0x1000, $0x38;
	[tilespmem:$0xC000] =	vst v63  }
0x1d: {  	_ =	swait.ge [sflag:s3], $0x1000  }
0x1e: {  	[sflag:s3] =	ssyncset.done $0x0  }
0x1f: {  	s11 =	simm.s32 $0x3040;
	[sflag:s3] =	ssyncadd.s32 $0xFFFFF000  }
0x20: {  	v1 =	vld [tilespmem:s11+$0x30]  }
0x21: {  	v2 =	vld [tilespmem:s11+$0xFFFFFFD0]  }
0x22: {  	v3 =	vld [tilespmem:s11+$0xFFFFFFE0]  }
0x23: {  	v9 =	vld [tilespmem:s11+$0x10]  }
0x24: {  	v5 =	vld [tilespmem:s11+$0xFFFFFFF0]  }
0x25: {  	v10 =	vld [tilespmem:s11+$0x20];
	v1 =	vsub.s32 v1, v0  }
0x26: {  	v7 =	vld [tilespmem:s11+$0x0];
	v2 =	vsub.s32 v2, v0;
	v8 =	vshll.u32 v1, $0x3  }
0x27: {  	v11 =	vld [tilespmem:s11+$0xFFFFFFC0];
	v4 =	vshll.u32 v2, $0x3;
	v1 =	vsub.s32 v3, v0  }
0x28: {  	v2 =	vsub.s32 v9, v0;
	v6 =	vshll.u32 v1, $0x3  }
0x29: {  	v1 =	vsub.s32 v5, v0;
	v2 =	vshll.u32 v2, $0x3  }
0x2a: {  	v5 =	vsub.s32 v10, v0;
	v3 =	vshll.u32 v1, $0x3  }
0x2b: {  	v1 =	vsub.s32 v7, v0;
	v5 =	vshll.u32 v5, $0x3;
	v9 =	vld.idx.msk [tilespmem:v8+s2+$0x0], $0xffff  }
0x2c: {  	v7 =	vsub.s32 v11, v0;
	v1 =	vshll.u32 v1, $0x3;
	v10 =	vld.idx.msk [tilespmem:v4+s2+$0x0], $0xffff  }
0x2d: {  	v7 =	vshll.u32 v7, $0x3;
	v11 =	vld.idx.msk [tilespmem:v6+s2+$0x0], $0xffff  }
0x2e: {  	v12 =	vor.u32 $0x1, v8;
	v17 =	vld.idx.msk [tilespmem:v2+s2+$0x0], $0xffff  }
0x2f: {  	v14 =	vor.u32 $0x1, v4;
	v13 =	vld.idx.msk [tilespmem:v3+s2+$0x0], $0xffff  }
0x30: {  	s11 =	simm.s32 $0x4200;
	v16 =	vor.u32 $0x1, v6;
	v19 =	vld.idx.msk [tilespmem:v5+s2+$0x0], $0xffff  }
0x31: {  	v60 =	vor.u32 $0x1, v2;
	v15 =	vld.idx.msk [tilespmem:v1+s2+$0x0], $0xffff;
	[tilespmem:s11+$0xFFFFFE70] =	vst v9  }
0x32: {  	v18 =	vor.u32 $0x1, v3;
	v20 =	vld.idx.msk [tilespmem:v7+s2+$0x0], $0xffff;
	[tilespmem:s11+$0xFFFFFE10] =	vst v10  }
0x33: {  	v62 =	vor.u32 $0x1, v7;
	v10 =	vld.idx.msk [tilespmem:v12+s2+$0x0], $0xffff;
	[tilespmem:s11+$0xFFFFFE20] =	vst v11  }
0x34: {  	v9 =	vor.u32 $0x1, v1;
	v11 =	vld.idx.msk [tilespmem:v14+s2+$0x0], $0xffff;
	[tilespmem:s11+$0xFFFFFE50] =	vst v17  }
0x35: {  	v63 =	vor.u32 $0x1, v5;
	[tilespmem:s11+$0xFFFFFE30] =	vst v13;
	v16 =	vld.idx.msk [tilespmem:v16+s2+$0x0], $0xffff  }
0x36: {  	v61 =	vor.u32 $0x2, v8;
	[tilespmem:s11+$0xFFFFFE60] =	vst v19;
	v12 =	vld.idx.msk [tilespmem:v60+s2+$0x0], $0xffff  }
0x37: {  	v24 =	vor.u32 $0x2, v4;
	v18 =	vld.idx.msk [tilespmem:v18+s2+$0x0], $0xffff;
	[tilespmem:s11+$0xFFFFFE00] =	vst v20  }
0x38: {  	v25 =	vor.u32 $0x2, v6;
	[tilespmem:s11+$0xFFFFFE40] =	vst v15;
	v14 =	vld.idx.msk [tilespmem:v62+s2+$0x0], $0xffff  }
0x39: {  	v28 =	vor.u32 $0x2, v7;
	v9 =	vld.idx.msk [tilespmem:v9+s2+$0x0], $0xffff;
	[tilespmem:s11+$0xFFFFFEF0] =	vst v10  }
0x3a: {  	v10 =	vor.u32 $0x2, v3;
	[tilespmem:s11+$0xFFFFFE90] =	vst v11;
	v11 =	vld.idx.msk [tilespmem:v63+s2+$0x0], $0xffff  }
0x3b: {  	v26 =	vor.u32 $0x2, v1;
	v13 =	vld.idx.msk [tilespmem:v61+s2+$0x0], $0xffff;
	[tilespmem:s11+$0xFFFFFEA0] =	vst v16  }
0x3c: {  	v29 =	vor.u32 $0x2, v2;
	v17 =	vld.idx.msk [tilespmem:v24+s2+$0x0], $0xffff;
	[tilespmem:s11+$0xFFFFFED0] =	vst v12  }
0x3d: {  	v27 =	vor.u32 $0x3, v8;
	v19 =	vld.idx.msk [tilespmem:v25+s2+$0x0], $0xffff;
	[tilespmem:s11+$0xFFFFFE80] =	vst v14  }
0x3e: {  	v30 =	vor.u32 $0x3, v4;
	[tilespmem:s11+$0xFFFFFEB0] =	vst v18;
	v16 =	vld.idx.msk [tilespmem:v28+s2+$0x0], $0xffff  }
0x3f: {  	v31 =	vor.u32 $0x3, v6;
	[tilespmem:s11+$0xFFFFFEC0] =	vst v9;
	v10 =	vld.idx.msk [tilespmem:v10+s2+$0x0], $0xffff  }
0x40: {  	v9 =	vor.u32 $0x2, v5;
	v20 =	vld.idx.msk [tilespmem:v26+s2+$0x0], $0xffff;
	[tilespmem:s11+$0xFFFFFEE0] =	vst v11  }
0x41: {  	v35 =	vor.u32 $0x3, v7;
	v11 =	vld.idx.msk [tilespmem:v29+s2+$0x0], $0xffff;
	[tilespmem:s11+$0xFFFFFF70] =	vst v13  }
0x42: {  	v33 =	vor.u32 $0x3, v3;
	[tilespmem:s11+$0xFFFFFF10] =	vst v17;
	v32 =	vld.idx.msk [tilespmem:v27+s2+$0x0], $0xffff  }
0x43: {  	v36 =	vor.u32 $0x3, v1;
	[tilespmem:s11+$0xFFFFFF20] =	vst v19;
	v12 =	vld.idx.msk [tilespmem:v30+s2+$0x0], $0xffff  }
0x44: {  	v34 =	vor.u32 $0x4, v8;
	v13 =	vld.idx.msk [tilespmem:v31+s2+$0x0], $0xffff;
	[tilespmem:s11+$0xFFFFFF00] =	vst v16  }
0x45: {  	v38 =	vor.u32 $0x4, v4;
	v9 =	vld.idx.msk [tilespmem:v9+s2+$0x0], $0xffff;
	[tilespmem:s11+$0xFFFFFF30] =	vst v10  }
0x46: {  	v40 =	vor.u32 $0x4, v6;
	[tilespmem:s11+$0xFFFFFF40] =	vst v20;
	v18 =	vld.idx.msk [tilespmem:v35+s2+$0x0], $0xffff  }
0x47: {  	v10 =	vor.u32 $0x3, v2;
	[tilespmem:s11+$0xFFFFFF50] =	vst v11;
	v15 =	vld.idx.msk [tilespmem:v33+s2+$0x0], $0xffff  }
0x48: {  	v37 =	vor.u32 $0x3, v5;
	v11 =	vld.idx.msk [tilespmem:v36+s2+$0x0], $0xffff;
	[tilespmem:s11+$0xFFFFFFF0] =	vst v32  }
0x49: {  	v41 =	vor.u32 $0x4, v7;
	[tilespmem:s11+$0xFFFFFF90] =	vst v12;
	v39 =	vld.idx.msk [tilespmem:v34+s2+$0x0], $0xffff  }
0x4a: {  	v42 =	vor.u32 $0x4, v3;
	[tilespmem:s11+$0xFFFFFFA0] =	vst v13;
	v14 =	vld.idx.msk [tilespmem:v38+s2+$0x0], $0xffff  }
0x4b: {  	v44 =	vor.u32 $0x4, v1;
	[tilespmem:s11+$0xFFFFFF60] =	vst v9;
	v17 =	vld.idx.msk [tilespmem:v40+s2+$0x0], $0xffff  }
0x4c: {  	v9 =	vor.u32 $0x5, v8;
	v10 =	vld.idx.msk [tilespmem:v10+s2+$0x0], $0xffff;
	[tilespmem:s11+$0xFFFFFF80] =	vst v18  }
0x4d: {  	v47 =	vor.u32 $0x5, v4;
	v43 =	vld.idx.msk [tilespmem:v37+s2+$0x0], $0xffff;
	[tilespmem:s11+$0xFFFFFFB0] =	vst v15  }
0x4e: {  	v45 =	vor.u32 $0x4, v2;
	v19 =	vld.idx.msk [tilespmem:v41+s2+$0x0], $0xffff;
	[tilespmem:s11+$0xFFFFFFC0] =	vst v11  }
0x4f: {  	v46 =	vor.u32 $0x4, v5;
	v11 =	vld.idx.msk [tilespmem:v42+s2+$0x0], $0xffff;
	[tilespmem:s11+$0x70] =	vst v39  }
0x50: {  	v48 =	vor.u32 $0x5, v7;
	v20 =	vld.idx.msk [tilespmem:v44+s2+$0x0], $0xffff;
	[tilespmem:s11+$0x10] =	vst v14  }
0x51: {  	v49 =	vor.u32 $0x5, v6;
	v9 =	vld.idx.msk [tilespmem:v9+s2+$0x0], $0xffff;
	[tilespmem:s11+$0x20] =	vst v17  }
0x52: {  	v51 =	vor.u32 $0x5, v3;
	v18 =	vld.idx.msk [tilespmem:v47+s2+$0x0], $0xffff;
	[tilespmem:s11+$0xFFFFFFD0] =	vst v10  }
0x53: {  	v10 =	vor.u32 $0x6, v8;
	[tilespmem:s11+$0xFFFFFFE0] =	vst v43;
	v50 =	vld.idx.msk [tilespmem:v45+s2+$0x0], $0xffff  }
0x54: {  	v52 =	vor.u32 $0x5, v1;
	v16 =	vld.idx.msk [tilespmem:v46+s2+$0x0], $0xffff;
	[tilespmem:s11+$0x0] =	vst v19  }
0x55: {  	v55 =	vor.u32 $0x6, v4;
	v12 =	vld.idx.msk [tilespmem:v48+s2+$0x0], $0xffff;
	[tilespmem:s11+$0x30] =	vst v11  }
0x56: {  	v53 =	vor.u32 $0x5, v5;
	v11 =	vld.idx.msk [tilespmem:v49+s2+$0x0], $0xffff;
	[tilespmem:s11+$0x40] =	vst v20  }
0x57: {  	v54 =	vor.u32 $0x6, v7;
	v15 =	vld.idx.msk [tilespmem:v51+s2+$0x0], $0xffff;
	[tilespmem:s11+$0xF0] =	vst v9  }
0x58: {  	v9 =	vor.u32 $0x5, v2;
	[tilespmem:s11+$0x90] =	vst v18;
	v10 =	vld.idx.msk [tilespmem:v10+s2+$0x0], $0xffff  }
0x59: {  	v56 =	vor.u32 $0x6, v6;
	v17 =	vld.idx.msk [tilespmem:v52+s2+$0x0], $0xffff;
	[tilespmem:s11+$0x50] =	vst v50  }
0x5a: {  	v57 =	vor.u32 $0x6, v3;
	v14 =	vld.idx.msk [tilespmem:v55+s2+$0x0], $0xffff;
	[tilespmem:s11+$0x60] =	vst v16  }
0x5b: {  	v8 =	vor.u32 $0x7, v8;
	v19 =	vld.idx.msk [tilespmem:v53+s2+$0x0], $0xffff;
	[tilespmem:s11+$0x80] =	vst v12  }
0x5c: {  	v4 =	vor.u32 $0x7, v4;
	[tilespmem:s11+$0xA0] =	vst v11;
	v13 =	vld.idx.msk [tilespmem:v54+s2+$0x0], $0xffff  }
0x5d: {  	v9 =	vld.idx.msk [tilespmem:v9+s2+$0x0], $0xffff;
	[tilespmem:s11+$0x170] =	vst v10;
	v10 =	vor.u32 $0x6, v1  }
0x5e: {  	v58 =	vor.u32 $0x6, v2;
	[tilespmem:s11+$0xB0] =	vst v15;
	v59 =	vld.idx.msk [tilespmem:v56+s2+$0x0], $0xffff  }
0x5f: {  	v11 =	vor.u32 $0x6, v5;
	[tilespmem:s11+$0xC0] =	vst v17;
	v60 =	vld.idx.msk [tilespmem:v57+s2+$0x0], $0xffff  }
0x60: {  	v7 =	vor.u32 $0x7, v7;
	[tilespmem:s11+$0x110] =	vst v14;
	v8 =	vld.idx.msk [tilespmem:v8+s2+$0x0], $0xffff  }
0x61: {  	v63 =	vor.u32 $0x7, v3;
	v61 =	vor.u32 $0x7, v6;
	v6 =	vld.idx.msk [tilespmem:v4+s2+$0x0], $0xffff;
	[tilespmem:s11+$0xE0] =	vst v19  }
0x62: {  	[tilespmem:s11+$0xD0] =	vst v9;
	v62 =	vld.idx.msk [tilespmem:v10+s2+$0x0], $0xffff  }
0x63: {  	[tilespmem:s11+$0x100] =	vst v13;
	v9 =	vld.idx.msk [tilespmem:v58+s2+$0x0], $0xffff  }
0x64: {  	[tilespmem:s11+$0x120] =	vst v59;
	v10 =	vld.idx.msk [tilespmem:v11+s2+$0x0], $0xffff  }
0x65: {  	v7 =	vld.idx.msk [tilespmem:v7+s2+$0x0], $0xffff;
	[tilespmem:s11+$0x130] =	vst v60  }
0x66: {  	v4 =	vor.u32 $0x7, v1;
	v1 =	vld.idx.msk [tilespmem:v63+s2+$0x0], $0xffff;
	[tilespmem:s11+$0x1F0] =	vst v8  }
0x67: {  	s12 =	simm.s32 $0x0;
	s13 =	simm.s32 $0x30C0;
	v3 =	vor.u32 $0x7, v2;
	v2 =	vor.u32 $0x7, v5;
	v8 =	vld.idx.msk [tilespmem:v61+s2+$0x0], $0xffff;
	[tilespmem:s11+$0x140] =	vst v62  }
.LBB2_2:
0x68: {  	v5 =	vld [tilespmem:s13+$0x30];
	s12 =	sadd.s32 $0x8, s12;
	[tilespmem:s11+$0x150] =	vst v9  }
0x69: {  	v9 =	vld [tilespmem:s13+$0xFFFFFFD0];
	p0 =	slt.u32 s12, $0xF8;
	[tilespmem:s11+$0x160] =	vst v10  }
0x6a: {  	v10 =	vld [tilespmem:s13+$0xFFFFFFE0];
	[tilespmem:s11+$0x180] =	vst v7  }
0x6b: {  	v7 =	vld [tilespmem:s13+$0xFFFFFFF0];
	[tilespmem:s11+$0x190] =	vst v6  }
0x6c: {  	v6 =	vld [tilespmem:s13+$0x0];
	[tilespmem:s11+$0x1A0] =	vst v8  }
0x6d: {  	v8 =	vld [tilespmem:s13+$0x10];
	v5 =	vsub.s32 v5, v0;
	[tilespmem:s11+$0x1B0] =	vst v1  }
0x6e: {  	v9 =	vsub.s32 v9, v0;
	v11 =	vld [tilespmem:s13+$0x20];
	v1 =	vshll.u32 v5, $0x3  }
0x6f: {  	v5 =	vld [tilespmem:s13+$0xFFFFFFC0];
	v12 =	vshll.u32 v9, $0x3;
	v9 =	vsub.s32 v10, v0  }
0x70: {  	v10 =	vor.u32 $0x1, v12;
	v16 =	vshll.u32 v9, $0x3;
	v7 =	vsub.s32 v7, v0;
	v4 =	vld.idx.msk [tilespmem:v4+s2+$0x0], $0xffff  }
0x71: {  	v9 =	vor.u32 $0x1, v16;
	v17 =	vshll.u32 v7, $0x3;
	v6 =	vsub.s32 v6, v0;
	v3 =	vld.idx.msk [tilespmem:v3+s2+$0x0], $0xffff  }
0x72: {  	v7 =	vor.u32 $0x1, v17;
	v18 =	vshll.u32 v6, $0x3;
	v6 =	vsub.s32 v8, v0;
	v2 =	vld.idx.msk [tilespmem:v2+s2+$0x0], $0xffff  }
0x73: {  	v8 =	vor.u32 $0x1, v18;
	v19 =	vshll.u32 v6, $0x3;
	v6 =	vsub.s32 v11, v0;
	v11 =	vld.idx.msk [tilespmem:v1+s2+$0x0], $0xffff  }
0x74: {  	v5 =	vsub.s32 v5, v0;
	v13 =	vld.idx.msk [tilespmem:v12+s2+$0x0], $0xffff;
	v14 =	vor.u32 $0x1, v19;
	v20 =	vshll.u32 v6, $0x3  }
0x75: {  	v15 =	vor.u32 $0x1, v1;
	v5 =	vshll.u32 v5, $0x3;
	v6 =	vld.idx.msk [tilespmem:v16+s2+$0x0], $0xffff;
	v21 =	vor.u32 $0x1, v20  }
0x76: {  	v24 =	vor.u32 $0x2, v12;
	v22 =	vor.u32 $0x1, v5;
	v23 =	vor.u32 $0x2, v5;
	v25 =	vld.idx.msk [tilespmem:v17+s2+$0x0], $0xffff;
	[tilespmem:s11+$0x1C0] =	vst v4  }
0x77: {  	v26 =	vor.u32 $0x2, v16;
	v27 =	vor.u32 $0x2, v17;
	v28 =	vor.u32 $0x2, v18;
	v4 =	vld.idx.msk [tilespmem:v18+s2+$0x0], $0xffff;
	[tilespmem:s11+$0x1D0] =	vst v3  }
0x78: {  	v30 =	vor.u32 $0x2, v19;
	v31 =	vor.u32 $0x2, v20;
	v29 =	vor.u32 $0x3, v5;
	v3 =	vld.idx.msk [tilespmem:v19+s2+$0x0], $0xffff;
	[tilespmem:s11+$0x1E0] =	vst v2;
	s11 =	sadd.s32 $0x400, s11  }
0x79: {  	v32 =	vor.u32 $0x3, v12;
	v33 =	vor.u32 $0x3, v16;
	v34 =	vor.u32 $0x3, v17;
	v2 =	vld.idx.msk [tilespmem:v20+s2+$0x0], $0xffff;
	[tilespmem:s11+$0xFFFFFE70] =	vst v11  }
0x7a: {  	v35 =	vor.u32 $0x3, v18;
	v36 =	vor.u32 $0x3, v19;
	v37 =	vor.u32 $0x3, v20;
	[tilespmem:s11+$0xFFFFFE10] =	vst v13;
	v11 =	vld.idx.msk [tilespmem:v15+s2+$0x0], $0xffff  }
0x7b: {  	v40 =	vor.u32 $0x4, v12;
	v41 =	vor.u32 $0x4, v16;
	v39 =	vor.u32 $0x4, v5;
	v38 =	vld.idx.msk [tilespmem:v5+s2+$0x0], $0xffff;
	[tilespmem:s11+$0xFFFFFE20] =	vst v6  }
0x7c: {  	v43 =	vor.u32 $0x2, v1;
	v42 =	vor.u32 $0x4, v18;
	v6 =	vld.idx.msk [tilespmem:v10+s2+$0x0], $0xffff;
	[tilespmem:s11+$0xFFFFFE30] =	vst v25;
	v25 =	vor.u32 $0x4, v17  }
0x7d: {  	v46 =	vor.u32 $0x4, v19;
	v47 =	vor.u32 $0x4, v20;
	v44 =	vor.u32 $0x5, v5;
	v45 =	vld.idx.msk [tilespmem:v9+s2+$0x0], $0xffff;
	[tilespmem:s11+$0xFFFFFE40] =	vst v4  }
0x7e: {  	v48 =	vor.u32 $0x5, v12;
	v49 =	vor.u32 $0x5, v16;
	v50 =	vor.u32 $0x5, v17;
	v4 =	vld.idx.msk [tilespmem:v7+s2+$0x0], $0xffff;
	[tilespmem:s11+$0xFFFFFE50] =	vst v3  }
0x7f: {  	v52 =	vor.u32 $0x5, v18;
	v53 =	vor.u32 $0x5, v19;
	v54 =	vor.u32 $0x5, v20;
	v51 =	vld.idx.msk [tilespmem:v8+s2+$0x0], $0xffff;
	[tilespmem:s11+$0xFFFFFE60] =	vst v2  }
0x80: {  	v15 =	vor.u32 $0x6, v5;
	v13 =	vor.u32 $0x6, v12;
	v10 =	vor.u32 $0x6, v16;
	v55 =	vld.idx.msk [tilespmem:v14+s2+$0x0], $0xffff;
	[tilespmem:s11+$0xFFFFFEF0] =	vst v11  }
0x81: {  	v9 =	vor.u32 $0x6, v19;
	v14 =	vor.u32 $0x6, v17;
	v11 =	vor.u32 $0x6, v18;
	[tilespmem:s11+$0xFFFFFE00] =	vst v38;
	v38 =	vld.idx.msk [tilespmem:v43+s2+$0x0], $0xffff  }
0x82: {  	v7 =	vor.u32 $0x7, v5;
	v22 =	vld.idx.msk [tilespmem:v22+s2+$0x0], $0xffff;
	[tilespmem:s11+$0xFFFFFE90] =	vst v6;
	v6 =	vor.u32 $0x7, v12;
	v12 =	vor.u32 $0x6, v20  }
0x83: {  	v5 =	vor.u32 $0x7, v17;
	v8 =	vor.u32 $0x7, v16;
	v17 =	vor.u32 $0x3, v1;
	[tilespmem:s11+$0xFFFFFEA0] =	vst v45;
	v16 =	vld.idx.msk [tilespmem:v21+s2+$0x0], $0xffff  }
0x84: {  	v3 =	vor.u32 $0x7, v19;
	v2 =	vor.u32 $0x7, v20;
	v21 =	vld.idx.msk [tilespmem:v24+s2+$0x0], $0xffff;
	[tilespmem:s11+$0xFFFFFEB0] =	vst v4;
	v4 =	vor.u32 $0x7, v18  }
0x85: {  	v18 =	vld.idx.msk [tilespmem:v26+s2+$0x0], $0xffff;
	[tilespmem:s11+$0xFFFFFEC0] =	vst v51  }
0x86: {  	v19 =	vld.idx.msk [tilespmem:v27+s2+$0x0], $0xffff;
	[tilespmem:s11+$0xFFFFFED0] =	vst v55  }
0x87: {  	v20 =	vld.idx.msk [tilespmem:v28+s2+$0x0], $0xffff;
	[tilespmem:s11+$0xFFFFFF70] =	vst v38  }
0x88: {  	[tilespmem:s11+$0xFFFFFE80] =	vst v22;
	v17 =	vld.idx.msk [tilespmem:v17+s2+$0x0], $0xffff  }
0x89: {  	v22 =	vld.idx.msk [tilespmem:v23+s2+$0x0], $0xffff;
	[tilespmem:s11+$0xFFFFFEE0] =	vst v16  }
0x8a: {  	[tilespmem:s11+$0xFFFFFF10] =	vst v21;
	v16 =	vld.idx.msk [tilespmem:v30+s2+$0x0], $0xffff;
	v21 =	vor.u32 $0x4, v1  }
0x8b: {  	[tilespmem:s11+$0xFFFFFF20] =	vst v18;
	v18 =	vld.idx.msk [tilespmem:v31+s2+$0x0], $0xffff  }
0x8c: {  	v23 =	vld.idx.msk [tilespmem:v32+s2+$0x0], $0xffff;
	[tilespmem:s11+$0xFFFFFF30] =	vst v19  }
0x8d: {  	v19 =	vld.idx.msk [tilespmem:v33+s2+$0x0], $0xffff;
	[tilespmem:s11+$0xFFFFFF40] =	vst v20  }
0x8e: {  	v20 =	vld.idx.msk [tilespmem:v34+s2+$0x0], $0xffff;
	[tilespmem:s11+$0xFFFFFFF0] =	vst v17  }
0x8f: {  	[tilespmem:s11+$0xFFFFFF00] =	vst v22;
	v17 =	vld.idx.msk [tilespmem:v21+s2+$0x0], $0xffff  }
0x90: {  	v21 =	vld.idx.msk [tilespmem:v29+s2+$0x0], $0xffff;
	[tilespmem:s11+$0xFFFFFF50] =	vst v16  }
0x91: {  	v16 =	vld.idx.msk [tilespmem:v35+s2+$0x0], $0xffff;
	[tilespmem:s11+$0xFFFFFF60] =	vst v18;
	v18 =	vor.u32 $0x5, v1  }
0x92: {  	[tilespmem:s11+$0xFFFFFF90] =	vst v23;
	v22 =	vld.idx.msk [tilespmem:v36+s2+$0x0], $0xffff  }
0x93: {  	[tilespmem:s11+$0xFFFFFFA0] =	vst v19;
	v19 =	vld.idx.msk [tilespmem:v37+s2+$0x0], $0xffff  }
0x94: {  	v23 =	vld.idx.msk [tilespmem:v40+s2+$0x0], $0xffff;
	[tilespmem:s11+$0xFFFFFFB0] =	vst v20  }
0x95: {  	v20 =	vld.idx.msk [tilespmem:v41+s2+$0x0], $0xffff;
	[tilespmem:s11+$0x70] =	vst v17  }
0x96: {  	[tilespmem:s11+$0xFFFFFF80] =	vst v21;
	v17 =	vld.idx.msk [tilespmem:v18+s2+$0x0], $0xffff  }
0x97: {  	v18 =	vld.idx.msk [tilespmem:v39+s2+$0x0], $0xffff;
	[tilespmem:s11+$0xFFFFFFC0] =	vst v16  }
0x98: {  	v21 =	vor.u32 $0x6, v1;
	v16 =	vld.idx.msk [tilespmem:v25+s2+$0x0], $0xffff;
	[tilespmem:s11+$0xFFFFFFD0] =	vst v22  }
0x99: {  	v22 =	vld.idx.msk [tilespmem:v42+s2+$0x0], $0xffff;
	[tilespmem:s11+$0xFFFFFFE0] =	vst v19  }
0x9a: {  	[tilespmem:s11+$0x10] =	vst v23;
	v19 =	vld.idx.msk [tilespmem:v46+s2+$0x0], $0xffff  }
0x9b: {  	[tilespmem:s11+$0x20] =	vst v20;
	v20 =	vld.idx.msk [tilespmem:v47+s2+$0x0], $0xffff  }
0x9c: {  	v23 =	vld.idx.msk [tilespmem:v48+s2+$0x0], $0xffff;
	[tilespmem:s11+$0xF0] =	vst v17  }
0x9d: {  	[tilespmem:s11+$0x0] =	vst v18;
	v17 =	vld.idx.msk [tilespmem:v21+s2+$0x0], $0xffff  }
0x9e: {  	v18 =	vld.idx.msk [tilespmem:v44+s2+$0x0], $0xffff;
	[tilespmem:s11+$0x30] =	vst v16  }
0x9f: {  	v1 =	vor.u32 $0x7, v1;
	v16 =	vld.idx.msk [tilespmem:v49+s2+$0x0], $0xffff;
	[tilespmem:s11+$0x40] =	vst v22  }
0xa0: {  	v21 =	vld.idx.msk [tilespmem:v50+s2+$0x0], $0xffff;
	[tilespmem:s11+$0x50] =	vst v19  }
0xa1: {  	v19 =	vld.idx.msk [tilespmem:v52+s2+$0x0], $0xffff;
	[tilespmem:s11+$0x60] =	vst v20  }
0xa2: {  	[tilespmem:s11+$0x90] =	vst v23;
	v20 =	vld.idx.msk [tilespmem:v53+s2+$0x0], $0xffff  }
0xa3: {  	v22 =	vld.idx.msk [tilespmem:v54+s2+$0x0], $0xffff;
	[tilespmem:s11+$0x170] =	vst v17  }
0xa4: {  	[tilespmem:s11+$0x80] =	vst v18;
	v1 =	vld.idx.msk [tilespmem:v1+s2+$0x0], $0xffff  }
0xa5: {  	v15 =	vld.idx.msk [tilespmem:v15+s2+$0x0], $0xffff;
	[tilespmem:s11+$0xA0] =	vst v16  }
0xa6: {  	v13 =	vld.idx.msk [tilespmem:v13+s2+$0x0], $0xffff;
	[tilespmem:s11+$0xB0] =	vst v21  }
0xa7: {  	v16 =	vld.idx.msk [tilespmem:v10+s2+$0x0], $0xffff;
	[tilespmem:s11+$0xC0] =	vst v19  }
0xa8: {  	v14 =	vld.idx.msk [tilespmem:v14+s2+$0x0], $0xffff;
	[tilespmem:s11+$0xD0] =	vst v20  }
0xa9: {  	v11 =	vld.idx.msk [tilespmem:v11+s2+$0x0], $0xffff;
	[tilespmem:s11+$0xE0] =	vst v22  }
0xaa: {  	v9 =	vld.idx.msk [tilespmem:v9+s2+$0x0], $0xffff;
	[tilespmem:s11+$0x1F0] =	vst v1  }
.Ltmp0:
0xab: {  	[tilespmem:s11+$0x100] =	vst v15;
	v10 =	vld.idx.msk [tilespmem:v12+s2+$0x0], $0xffff;
	(pc) =	sbr.rel @p0 .LBB2_2-.Ltmp0, $4  }
0xac: {  	v7 =	vld.idx.msk [tilespmem:v7+s2+$0x0], $0xffff;
	[tilespmem:s11+$0x110] =	vst v13  }
0xad: {  	v6 =	vld.idx.msk [tilespmem:v6+s2+$0x0], $0xffff;
	[tilespmem:s11+$0x120] =	vst v16  }
0xae: {  	v8 =	vld.idx.msk [tilespmem:v8+s2+$0x0], $0xffff;
	[tilespmem:s11+$0x130] =	vst v14  }
0xaf: {  	s13 =	sadd.s32 $0x80, s13;
	v1 =	vld.idx.msk [tilespmem:v5+s2+$0x0], $0xffff;
	[tilespmem:s11+$0x140] =	vst v11  }
0xb0: {  	_ =	sdelay $0x2  }
0xb1: {  	[tilespmem:s11+$0x150] =	vst v9  }
0xb2: {  	[tilespmem:s11+$0x160] =	vst v10;
	v4 =	vld.idx.msk [tilespmem:v4+s2+$0x0], $0xffff  }
0xb3: {  	[tilespmem:s11+$0x180] =	vst v7;
	v3 =	vld.idx.msk [tilespmem:v3+s2+$0x0], $0xffff  }
0xb4: {  	v2 =	vld.idx.msk [tilespmem:v2+s2+$0x0], $0xffff;
	[tilespmem:s11+$0x190] =	vst v6  }
0xb5: {  	[tilespmem:s11+$0x1A0] =	vst v8  }
0xb6: {  	[tilespmem:s11+$0x1B0] =	vst v1  }
0xb7: {  	s10 =	sadd.s32 $0x1, s10;
	[tilespmem:s11+$0x1C0] =	vst v4  }
0xb8: {  	p0 =	sne.s32 s10, s7;
	[tilespmem:s11+$0x1D0] =	vst v3  }
.Ltmp1:
0xb9: {  	[tilespmem:s11+$0x1E0] =	vst v2;
	(pc) =	sbr.rel @p0 .LBB2_1-.Ltmp1, $4  }
0xba: {  	[hbm4b:s6+s2] =	stream.linear.scatter [tilespmem:s9], [sflag:$0x1], $0x8000, $0x38;
	[tilespmem:$0xC000] =	vst v63  }
0xbb: {  	_ =	swait.ge [sflag:s3], $0x8000  }
0xbc: {  	[sflag:s3] =	ssyncset.done $0x0  }
0xbd: {  	[sflag:s3] =	ssyncadd.s32 $0xFFFF8000  }
0xbe: {  	_ =	sfence.sel $0x180000  }
0xbf: {  	[bflag:$0x0] =	sbarrier.arrive $0xFFFF  }
0xc0: {  	p0 =	sne.s32 s0, $0x0;
	_ =	strace $0x90000047  }
0xc1: {  	s0 =	sadd.s32 @!p0 $0x100000, s1;
	[bflag:$0x2] =	sbarrier.arrive $0xFFFF  }
0xc2: {  	[sflag:s0] =	ssyncadd.tile.s32 @!p0 $0x1;
	_ =	shalt  }
.Lfunc_end2:
_tile_overlayer_lowered:
.L_overlay_start_2:
0xc3: {  	(tag) =	ssettag $0x2  }
0xc4: {  	s0 =	rddreg [dreg:$0x0];
	s2 =	stileid.u32  }
0xc5: {  	s1 =	rddreg [dreg:$0x1];
	p0 =	sne.s32 s2, $0x0  }
0xc6: {  	s3 =	rddreg [dreg:$0x2];
	[bflag:$0x3] =	sbarrier.arrive $0xFFFF;
	s2 =	simm.s32 @!p0 $0x1C01  }
0xc7: {  	[timem:s3], [sflag:s2] =	dma.local @!p0 [hbm:s0], s1  }
0xc8: {  	s0 =	simm.s32 @!p0 $0x1  }
0xc9: {  	_ =	swait.ge @!p0 [sflag:s0], s1  }
0xca: {  	s1 =	ssub.s32 @!p0 $0x0, s1;
	[sflag:s0] =	ssyncset.done @!p0 $0x0  }
0xcb: {  	[sflag:s0] =	ssyncadd.s32 @!p0 s1  }
0xcc: {  	[bflag:$0x3] =	sbarrier.arrive $0xFFFF  }
0xcd: {  	_ =	shalt  }

</sc_bundles>
